<compile_context>
chip_gen: v7x
topology: tpu7x:2x2x1
jax: 0.10.2.dev20260603
libtpu: 0.0.44.dev20260713+nightly
codegen_flags: <defaults>
</compile_context>

<pallas_src>
import functools

import jax
import jax.numpy as jnp
from jax import lax
from jax.experimental import pallas as pl
from jax.experimental.pallas import tpu as pltpu
from jax.experimental.pallas import tpu_sc as plsc

B = 16
S = 512
NT = 6
LN2 = 0.6931472
SQRT2 = 1.4142135


def _vlog(x):
    bits = plsc.bitcast(x, jnp.int32)
    e = (bits >> 23) - 127
    m = plsc.bitcast((bits & 0x007FFFFF) | 0x3F800000, jnp.float32)
    big = m > SQRT2
    m = jnp.where(big, m * 0.5, m)
    ef = (e + big.astype(jnp.int32)).astype(jnp.float32)
    t = (m - 1.0) / (m + 1.0)
    s = t * t
    p = (1.0 / 3.0) + s * ((1.0 / 5.0) + s * ((1.0 / 7.0) + s * (1.0 / 9.0)))
    lm = 2.0 * t + 2.0 * t * s * p
    return jnp.where(x == 0.0, -jnp.inf, ef * LN2 + lm)


def _sc_body(table_hbm, gt_hbm, out_hbm, gt_v, idx_v, rows_v, acc_v, all_v,
             res_v, shared, sem):
    cid = lax.axis_index("c")
    sid = lax.axis_index("s")
    on_core0 = cid == 0

    @pl.when(on_core0 & (sid < NT))
    def _():
        pltpu.sync_copy(gt_hbm, gt_v)
        iota = lax.iota(jnp.int32, 16)
        g0 = plsc.load_gather(gt_v, [iota, jnp.zeros((16,), jnp.int32)])
        g1 = plsc.load_gather(gt_v, [iota, jnp.ones((16,), jnp.int32)])

        oi = sid - 3
        p0 = g0 + oi
        pc0 = jnp.clip(p0, 0, S - 1)
        idx_v[...] = iota * S + pc0
        gather = pltpu.async_copy(table_hbm.at[idx_v], rows_v, sem)

        g0f = g0.astype(jnp.float32)
        g1f = g1.astype(jnp.float32)
        s0 = jnp.sum(g0f)
        s1 = jnp.sum(g1f)
        q = jnp.sum(g0f * g0f + g1f * g1f)
        p0f = p0.astype(jnp.float32)
        row_q = 16.0 * (p0f * p0f) - 2.0 * (p0f * s0) + q
        v0 = (p0 >= 0) & (p0 < S)

        gather.wait()

        def combine(j, carry):
            acc_t, acc_c = carry
            p1 = g1 + (j - 3)
            valid = v0 & (p1 >= 0) & (p1 < S)
            pc1 = jnp.clip(p1, 0, S - 1)
            yh = plsc.load_gather(rows_v, [iota, pc1])
            p1f = p1.astype(jnp.float32)
            normsq = row_q + 16.0 * (p1f * p1f) - 2.0 * (p1f * s1)
            y = jnp.exp(normsq * -0.2)
            d = yh - y
            d2 = d * d
            omy = 1.0 - y
            omy2 = omy * omy
            pos_t = -_vlog(yh) * d2
            neg_t = -_vlog(1.0 - yh) * (omy2 * omy2) * d2
            term = jnp.where(y == 1.0, pos_t, neg_t)
            vf = valid.astype(jnp.float32)
            return acc_t + term * vf, acc_c + vf

        zv = jnp.zeros((16,), jnp.float32)
        acc_t, acc_c = lax.fori_loop(0, 6, combine, (zv, zv), unroll=2)

        acc_v[pl.ds(0, 16)] = acc_t
        acc_v[pl.ds(16, 16)] = acc_c
        pltpu.sync_copy(acc_v, shared.at[pl.ds(32 * sid, 32)])

    plsc.subcore_barrier()

    @pl.when(on_core0 & (sid == 0))
    def _():
        pltpu.sync_copy(shared, all_v)
        tv = all_v[pl.ds(0, 16)]
        cv = all_v[pl.ds(16, 16)]
        for i in range(1, NT):
            tv = tv + all_v[pl.ds(32 * i, 16)]
            cv = cv + all_v[pl.ds(32 * i + 16, 16)]
        zf = jnp.zeros((16,), jnp.float32)
        res_v[...] = (zf + jnp.sum(tv)) / (zf + jnp.sum(cv))
        pltpu.sync_copy(res_v.at[pl.ds(0, 1)], out_hbm)


_sc_loss = functools.partial(
    pl.kernel,
    out_type=jax.ShapeDtypeStruct((1,), jnp.float32),
    mesh=plsc.VectorSubcoreMesh(core_axis_name="c", subcore_axis_name="s",
                                num_cores=1),
    compiler_params=pltpu.CompilerParams(needs_layout_passes=False,
                                         skip_device_barrier=True,
                                         disable_bounds_checks=True,
                                         disable_semaphore_checks=True),
    scratch_types=[
        pltpu.VMEM((16, 2), jnp.int32),
        pltpu.VMEM((16,), jnp.int32),
        pltpu.VMEM((16, S), jnp.float32),
        pltpu.VMEM((32,), jnp.float32),
        pltpu.VMEM((32 * NT,), jnp.float32),
        pltpu.VMEM((16,), jnp.float32),
        pltpu.VMEM_SHARED((32 * NT,), jnp.float32),
        pltpu.SemaphoreType.DMA,
    ],
)(_sc_body)


@jax.jit
def kernel(y_predict, gt_pos):
    table = y_predict.reshape(B * S, S)
    return _sc_loss(table, gt_pos.astype(jnp.int32)).reshape(())

# --- scband reference (transcript-rebuilt; emitter-appended) ---
"""Pipeline reference for scband-loss-39934605918651 (READ-ONLY COPY).

The authoritative reference and input builder live on the scoring server;
editing this copy changes nothing except your own understanding.
"""

import jax, jax.numpy as jnp
import numpy as np


def setup_inputs(seed: int = 0) -> dict:
    key = jax.random.key(seed)
    k1, k2 = jax.random.split(key)
    # y_hat is used inside log(y_hat) and log(1-y_hat); uniform (0,1) matches requirement
    y_predict = jax.random.uniform(k1, (16, 512, 512), dtype=jnp.float32)
    gt_pos = jax.random.randint(k2, (16, 2), 0, 512, dtype=jnp.int32)
    return {"y_predict": y_predict, "gt_pos": gt_pos}


def reference(y_predict, gt_pos):
    # Faithful translation of the torch loop-based focal heatmap loss.
    # Note the original code computes y = exp(-||pos - gt_pos||^2 / 5) where gt_pos is
    # the FULL [B,2] array broadcast against pos[2] (an apparent bug we reproduce faithfully).
    B = y_predict.shape[0]
    S = y_predict.shape[1]
    ii, jj = jnp.meshgrid(jnp.arange(-3, 3), jnp.arange(-3, 3), indexing='ij')
    offs = jnp.stack([ii.reshape(-1), jj.reshape(-1)], axis=-1)  # [36, 2]
    pos = gt_pos[:, None, :].astype(jnp.int32) + offs[None, :, :].astype(jnp.int32)  # [B, 36, 2]
    valid = jnp.all((pos >= 0) & (pos < S), axis=-1)  # [B, 36]
    pc = jnp.clip(pos, 0, S - 1)
    bidx = jnp.arange(B)[:, None]
    y_hat = y_predict[bidx, pc[..., 0], pc[..., 1]]  # [B, 36] gather
    # torch.norm((pos - gt_pos).float())**2 == sum of squares over the broadcast [B,2] diff
    diff = pos[:, :, None, :].astype(jnp.float32) - gt_pos[None, None, :, :].astype(jnp.float32)  # [B,36,B,2]
    normsq = jnp.sum(diff * diff, axis=(-2, -1))  # [B, 36]
    y = jnp.exp(-normsq / 5.0)
    pos_term = -jnp.log(y_hat) * (y_hat - y) ** 2
    neg_term = -jnp.log(1.0 - y_hat) * (1.0 - y) ** 4 * (y_hat - y) ** 2
    term = jnp.where(y == 1.0, pos_term, neg_term)
    vf = valid.astype(jnp.float32)
    cnt = jnp.sum(vf)
    loss = jnp.sum(term * vf) / cnt
    return loss

if __name__ == "__main__":
    import jax
    _d = setup_inputs()
    print(jax.jit(kernel)(*tuple(_d.values())))

</pallas_src>

<mosaic_0001>
#map = affine_map<(d0, d1) -> (0, 0)>
#map1 = affine_map<(d0, d1) -> (0)>
module attributes {stable_mosaic.version = 14 : i64} {
  func.func @_sc_body(%arg0: i32, %arg1: i32, %arg2: memref<8192x512xf32, #tpu.memory_space<hbm>>, %arg3: memref<16x2xi32, #tpu.memory_space<hbm>>, %arg4: memref<1xf32, #tpu.memory_space<hbm>>, %arg5: memref<16x2xi32, #tpu.memory_space<vmem>>, %arg6: memref<16xi32, #tpu.memory_space<vmem>>, %arg7: memref<16x512xf32, #tpu.memory_space<vmem>>, %arg8: memref<32xf32, #tpu.memory_space<vmem>>, %arg9: memref<192xf32, #tpu.memory_space<vmem>>, %arg10: memref<16xf32, #tpu.memory_space<vmem>>, %arg11: memref<192xf32, #tpu.memory_space<vmem_shared>>, %arg12: memref<!tpu.dma_semaphore, #tpu.memory_space<semaphore_mem>>) attributes {dimension_semantics = [#tpu.dimension_semantics<core_parallel>, #tpu.dimension_semantics<subcore_parallel>], iteration_bounds = array<i64: 1, 16>, scalar_prefetch = 0 : i64, scratch_operands = 8 : i64, tpu.core_type = #tpu.core_type<sc_vector_subcore>, window_params = [{transform_indices = #map}, {transform_indices = #map}, {transform_indices = #map1}]} {
    %eq3A = arith.constant 0 : i32
    %eq3A_0 = arith.cmpi eq, %arg0, %eq3A : i32
    %lt3A = arith.constant 6 : i32
    %lt3A_1 = arith.cmpi slt, %arg1, %lt3A : i32
    %and3A = arith.andi %eq3A_0, %lt3A_1 : i1
    %convert_element_type3A = arith.extui %and3A : i1 to i32
    %cond3A = arith.constant 0 : i32
    %cond3A_2 = arith.cmpi ne, %convert_element_type3A, %cond3A : i32
    scf.if %cond3A_2 {
      "tpu.region"() ({
        %run_scoped3A = tpu.sem_alloc : memref<!tpu.dma_semaphore, #tpu.memory_space<semaphore_mem>>
        tpu.enqueue_dma source(%arg3 : memref<16x2xi32, #tpu.memory_space<hbm>>) target(%arg5 : memref<16x2xi32, #tpu.memory_space<vmem>>) target_semaphore(%run_scoped3A : memref<!tpu.dma_semaphore, #tpu.memory_space<semaphore_mem>>)
        tpu.wait_dma2 semaphore(%run_scoped3A : memref<!tpu.dma_semaphore, #tpu.memory_space<semaphore_mem>>) src(%arg3 : memref<16x2xi32, #tpu.memory_space<hbm>>) dst(%arg5 : memref<16x2xi32, #tpu.memory_space<vmem>>)
        tpu.yield
      }) : () -> ()
      %iota3A = tpu.iota {dimensions = array<i32: 0>} : vector<16xi32>
      %broadcast_in_dim3A = arith.constant 0 : i32
      %broadcast_in_dim3A_9 = vector.broadcast %broadcast_in_dim3A : i32 to vector<16xi32>
      %gather3A = tpu.vector_load_idx %arg5[%iota3A, %broadcast_in_dim3A_9] : memref<16x2xi32, #tpu.memory_space<vmem>>[vector<16xi32>, vector<16xi32>], vector<16xi32>,
      %broadcast_in_dim3A_10 = arith.constant 1 : i32
      %broadcast_in_dim3A_11 = vector.broadcast %broadcast_in_dim3A_10 : i32 to vector<16xi32>
      %gather3A_12 = tpu.vector_load_idx %arg5[%iota3A, %broadcast_in_dim3A_11] : memref<16x2xi32, #tpu.memory_space<vmem>>[vector<16xi32>, vector<16xi32>], vector<16xi32>,
      %sub3A = arith.constant 3 : i32
      %sub3A_13 = arith.subi %arg1, %sub3A : i32
      %add3A = vector.broadcast %sub3A_13 : i32 to vector<16xi32>
      %add3A_14 = arith.addi %gather3A, %add3A : vector<16xi32>
      %jit3A = arith.constant 0 : i32
      %jit3A_15 = arith.constant 511 : i32
      %max3A = vector.broadcast %jit3A : i32 to vector<16xi32>
      %max3A_16 = arith.maxsi %max3A, %add3A_14 : vector<16xi32>
      %min3A = vector.broadcast %jit3A_15 : i32 to vector<16xi32>
      %min3A_17 = arith.minsi %min3A, %max3A_16 : vector<16xi32>
      %mul3A = arith.constant 512 : i32
      %mul3A_18 = vector.broadcast %mul3A : i32 to vector<16xi32>
      %mul3A_19 = arith.muli %iota3A, %mul3A_18 : vector<16xi32>
      %add3A_20 = arith.addi %mul3A_19, %min3A_17 : vector<16xi32>
      %swap3A = arith.constant 0 : index
      %swap3A_21 = tpu.vector_load %arg6[%swap3A] {strides = array<i32>} : memref<16xi32, #tpu.memory_space<vmem>>, vector<16xi32>,
      tpu.vector_store %arg6[%swap3A], %add3A_20 {strides = array<i32>} : memref<16xi32, #tpu.memory_space<vmem>>, vector<16xi32>,
      %dma_start3A = arith.constant 0 : i32
      %dma_start3A_22 = arith.constant 0 : i32
      %dma_start3A_23 = tpu.memref_slice %arg2[%dma_start3A, %dma_start3A_22] : memref<8192x512xf32, #tpu.memory_space<hbm>> -> memref<8192x512xf32, #tpu.memory_space<hbm>>
      tpu.enqueue_indirect_dma source(%dma_start3A_23 : memref<8192x512xf32, #tpu.memory_space<hbm>>) target(%arg7 : memref<16x512xf32, #tpu.memory_space<vmem>>) offsets(%arg6 : memref<16xi32, #tpu.memory_space<vmem>>) semaphore(%arg12 : memref<!tpu.dma_semaphore, #tpu.memory_space<semaphore_mem>>)
      %convert_element_type3A_24 = arith.sitofp %gather3A : vector<16xi32> to vector<16xf32>
      %convert_element_type3A_25 = arith.sitofp %gather3A_12 : vector<16xi32> to vector<16xf32>
      %reduce_sum3A = arith.constant true
      %reduce_sum3A_26 = vector.broadcast %reduce_sum3A : i1 to vector<16xi1>
      %reduce_sum3A_27 = tpu.scan <sum>, %convert_element_type3A_24 masked %reduce_sum3A_26 : vector<16xf32>, vector<16xi1> -> vector<16xf32>
      %reduce_sum3A_28 = vector.extract %reduce_sum3A_27[15] : f32 from vector<16xf32>
      %reduce_sum3A_29 = arith.constant true
      %reduce_sum3A_30 = vector.broadcast %reduce_sum3A_29 : i1 to vector<16xi1>
      %reduce_sum3A_31 = tpu.scan <sum>, %convert_element_type3A_25 masked %reduce_sum3A_30 : vector<16xf32>, vector<16xi1> -> vector<16xf32>
      %reduce_sum3A_32 = vector.extract %reduce_sum3A_31[15] : f32 from vector<16xf32>
      %mul3A_33 = arith.mulf %convert_element_type3A_24, %convert_element_type3A_24 : vector<16xf32>
      %mul3A_34 = arith.mulf %convert_element_type3A_25, %convert_element_type3A_25 : vector<16xf32>
      %add3A_35 = arith.addf %mul3A_33, %mul3A_34 : vector<16xf32>
      %reduce_sum3A_36 = arith.constant true
      %reduce_sum3A_37 = vector.broadcast %reduce_sum3A_36 : i1 to vector<16xi1>
      %reduce_sum3A_38 = tpu.scan <sum>, %add3A_35 masked %reduce_sum3A_37 : vector<16xf32>, vector<16xi1> -> vector<16xf32>
      %reduce_sum3A_39 = vector.extract %reduce_sum3A_38[15] : f32 from vector<16xf32>
      %convert_element_type3A_40 = arith.sitofp %add3A_14 : vector<16xi32> to vector<16xf32>
      %mul3A_41 = arith.mulf %convert_element_type3A_40, %convert_element_type3A_40 : vector<16xf32>
      %mul3A_42 = arith.constant 1.600000e+01 : f32
      %mul3A_43 = vector.broadcast %mul3A_42 : f32 to vector<16xf32>
      %mul3A_44 = arith.mulf %mul3A_43, %mul3A_41 : vector<16xf32>
      %mul3A_45 = vector.broadcast %reduce_sum3A_28 : f32 to vector<16xf32>
      %mul3A_46 = arith.mulf %convert_element_type3A_40, %mul3A_45 : vector<16xf32>
      %mul3A_47 = arith.constant 2.000000e+00 : f32
      %mul3A_48 = vector.broadcast %mul3A_47 : f32 to vector<16xf32>
      %mul3A_49 = arith.mulf %mul3A_48, %mul3A_46 : vector<16xf32>
      %sub3A_50 = arith.subf %mul3A_44, %mul3A_49 : vector<16xf32>
      %add3A_51 = vector.broadcast %reduce_sum3A_39 : f32 to vector<16xf32>
      %add3A_52 = arith.addf %sub3A_50, %add3A_51 : vector<16xf32>
      %ge3A = arith.constant 0 : i32
      %ge3A_53 = vector.broadcast %ge3A : i32 to vector<16xi32>
      %ge3A_54 = arith.cmpi sge, %add3A_14, %ge3A_53 : vector<16xi32>
      %lt3A_55 = arith.constant 512 : i32
      %lt3A_56 = vector.broadcast %lt3A_55 : i32 to vector<16xi32>
      %lt3A_57 = arith.cmpi slt, %add3A_14, %lt3A_56 : vector<16xi32>
      %and3A_58 = arith.andi %ge3A_54, %lt3A_57 : vector<16xi1>
      %dma_wait3A = arith.constant 0 : i32
      %dma_wait3A_59 = arith.constant 0 : i32
      %dma_wait3A_60 = tpu.memref_slice %arg2[%dma_wait3A, %dma_wait3A_59] : memref<8192x512xf32, #tpu.memory_space<hbm>> -> memref<8192x512xf32, #tpu.memory_space<hbm>>
      tpu.wait_indirect_dma semaphore(%arg12 : memref<!tpu.dma_semaphore, #tpu.memory_space<semaphore_mem>>) src(%dma_wait3A_60 : memref<8192x512xf32, #tpu.memory_space<hbm>>) dst(%arg7 : memref<16x512xf32, #tpu.memory_space<vmem>>)
      %broadcast_in_dim3A_61 = arith.constant 0.000000e+00 : f32
      %broadcast_in_dim3A_62 = vector.broadcast %broadcast_in_dim3A_61 : f32 to vector<16xf32>
      %scan3A = arith.constant 0 : i32
      %scan3A_63 = arith.constant 6 : i32
      %scan3A_64 = arith.addi %scan3A, %scan3A_63 : i32
      %scan3A_65 = arith.constant 2 : i32
      %scan3A_66:2 = scf.for %scan3A_74 = %scan3A to %scan3A_64 step %scan3A_65 iter_args(%scan3A_75 = %broadcast_in_dim3A_62, %scan3A_76 = %broadcast_in_dim3A_62) -> (vector<16xf32>, vector<16xf32>)  : i32 {
        %sub3A_77 = arith.constant 3 : i32
        %sub3A_78 = arith.subi %scan3A_74, %sub3A_77 : i32
        %add3A_79 = vector.broadcast %sub3A_78 : i32 to vector<16xi32>
        %add3A_80 = arith.addi %gather3A_12, %add3A_79 : vector<16xi32>
        %ge3A_81 = arith.constant 0 : i32
        %ge3A_82 = vector.broadcast %ge3A_81 : i32 to vector<16xi32>
        %ge3A_83 = arith.cmpi sge, %add3A_80, %ge3A_82 : vector<16xi32>
        %and3A_84 = arith.andi %and3A_58, %ge3A_83 : vector<16xi1>
        %lt3A_85 = arith.constant 512 : i32
        %lt3A_86 = vector.broadcast %lt3A_85 : i32 to vector<16xi32>
        %lt3A_87 = arith.cmpi slt, %add3A_80, %lt3A_86 : vector<16xi32>
        %and3A_88 = arith.andi %and3A_84, %lt3A_87 : vector<16xi1>
        %jit3A_89 = arith.constant 0 : i32
        %jit3A_90 = arith.constant 511 : i32
        %max3A_91 = vector.broadcast %jit3A_89 : i32 to vector<16xi32>
        %max3A_92 = arith.maxsi %max3A_91, %add3A_80 : vector<16xi32>
        %min3A_93 = vector.broadcast %jit3A_90 : i32 to vector<16xi32>
        %min3A_94 = arith.minsi %min3A_93, %max3A_92 : vector<16xi32>
        %gather3A_95 = tpu.vector_load_idx %arg7[%iota3A, %min3A_94] : memref<16x512xf32, #tpu.memory_space<vmem>>[vector<16xi32>, vector<16xi32>], vector<16xf32>,
        %convert_element_type3A_96 = arith.sitofp %add3A_80 : vector<16xi32> to vector<16xf32>
        %mul3A_97 = arith.mulf %convert_element_type3A_96, %convert_element_type3A_96 : vector<16xf32>
        %mul3A_98 = arith.constant 1.600000e+01 : f32
        %mul3A_99 = vector.broadcast %mul3A_98 : f32 to vector<16xf32>
        %mul3A_100 = arith.mulf %mul3A_99, %mul3A_97 : vector<16xf32>
        %add3A_101 = arith.addf %add3A_52, %mul3A_100 : vector<16xf32>
        %mul3A_102 = vector.broadcast %reduce_sum3A_32 : f32 to vector<16xf32>
        %mul3A_103 = arith.mulf %convert_element_type3A_96, %mul3A_102 : vector<16xf32>
        %mul3A_104 = arith.constant 2.000000e+00 : f32
        %mul3A_105 = vector.broadcast %mul3A_104 : f32 to vector<16xf32>
        %mul3A_106 = arith.mulf %mul3A_105, %mul3A_103 : vector<16xf32>
        %sub3A_107 = arith.subf %add3A_101, %mul3A_106 : vector<16xf32>
        %mul3A_108 = arith.constant -2.000000e-01 : f32
        %mul3A_109 = vector.broadcast %mul3A_108 : f32 to vector<16xf32>
        %mul3A_110 = arith.mulf %sub3A_107, %mul3A_109 : vector<16xf32>
        %exp3A = math.exp %mul3A_110 : vector<16xf32>
        %sub3A_111 = arith.subf %gather3A_95, %exp3A : vector<16xf32>
        %mul3A_112 = arith.mulf %sub3A_111, %sub3A_111 : vector<16xf32>
        %sub3A_113 = arith.constant 1.000000e+00 : f32
        %sub3A_114 = vector.broadcast %sub3A_113 : f32 to vector<16xf32>
        %sub3A_115 = arith.subf %sub3A_114, %exp3A : vector<16xf32>
        %mul3A_116 = arith.mulf %sub3A_115, %sub3A_115 : vector<16xf32>
        %bitcast3A = vector.bitcast %gather3A_95 : vector<16xf32> to vector<16xi32>
        %shift_right_arithmetic3A = arith.constant 23 : i32
        %shift_right_arithmetic3A_117 = vector.broadcast %shift_right_arithmetic3A : i32 to vector<16xi32>
        %shift_right_arithmetic3A_118 = arith.shrsi %bitcast3A, %shift_right_arithmetic3A_117 : vector<16xi32>
        %sub3A_119 = arith.constant 127 : i32
        %sub3A_120 = vector.broadcast %sub3A_119 : i32 to vector<16xi32>
        %sub3A_121 = arith.subi %shift_right_arithmetic3A_118, %sub3A_120 : vector<16xi32>
        %and3A_122 = arith.constant 8388607 : i32
        %and3A_123 = vector.broadcast %and3A_122 : i32 to vector<16xi32>
        %and3A_124 = arith.andi %bitcast3A, %and3A_123 : vector<16xi32>
        %or3A = arith.constant 1065353216 : i32
        %or3A_125 = vector.broadcast %or3A : i32 to vector<16xi32>
        %or3A_126 = arith.ori %and3A_124, %or3A_125 : vector<16xi32>
        %bitcast3A_127 = vector.bitcast %or3A_126 : vector<16xi32> to vector<16xf32>
        %gt3A = arith.constant 1.41421354 : f32
        %gt3A_128 = vector.broadcast %gt3A : f32 to vector<16xf32>
        %gt3A_129 = arith.cmpf ogt, %bitcast3A_127, %gt3A_128 : vector<16xf32>
        %mul3A_130 = arith.constant 5.000000e-01 : f32
        %mul3A_131 = vector.broadcast %mul3A_130 : f32 to vector<16xf32>
        %mul3A_132 = arith.mulf %bitcast3A_127, %mul3A_131 : vector<16xf32>
        %select_n3A = arith.select %gt3A_129, %mul3A_132, %bitcast3A_127 : vector<16xi1>, vector<16xf32>
        %convert_element_type3A_133 = arith.extui %gt3A_129 : vector<16xi1> to vector<16xi32>
        %add3A_134 = arith.addi %sub3A_121, %convert_element_type3A_133 : vector<16xi32>
        %convert_element_type3A_135 = arith.sitofp %add3A_134 : vector<16xi32> to vector<16xf32>
        %sub3A_136 = arith.constant 1.000000e+00 : f32
        %sub3A_137 = vector.broadcast %sub3A_136 : f32 to vector<16xf32>
        %sub3A_138 = arith.subf %select_n3A, %sub3A_137 : vector<16xf32>
        %add3A_139 = arith.constant 1.000000e+00 : f32
        %add3A_140 = vector.broadcast %add3A_139 : f32 to vector<16xf32>
        %add3A_141 = arith.addf %select_n3A, %add3A_140 : vector<16xf32>
        %div3A = arith.divf %sub3A_138, %add3A_141 : vector<16xf32>
        %mul3A_142 = arith.mulf %div3A, %div3A : vector<16xf32>
        %mul3A_143 = arith.constant 0.111111112 : f32
        %mul3A_144 = vector.broadcast %mul3A_143 : f32 to vector<16xf32>
        %mul3A_145 = arith.mulf %mul3A_142, %mul3A_144 : vector<16xf32>
        %add3A_146 = arith.constant 0.142857149 : f32
        %add3A_147 = vector.broadcast %add3A_146 : f32 to vector<16xf32>
        %add3A_148 = arith.addf %add3A_147, %mul3A_145 : vector<16xf32>
        %mul3A_149 = arith.mulf %mul3A_142, %add3A_148 : vector<16xf32>
        %add3A_150 = arith.constant 2.000000e-01 : f32
        %add3A_151 = vector.broadcast %add3A_150 : f32 to vector<16xf32>
        %add3A_152 = arith.addf %add3A_151, %mul3A_149 : vector<16xf32>
        %mul3A_153 = arith.mulf %mul3A_142, %add3A_152 : vector<16xf32>
        %add3A_154 = arith.constant 0.333333343 : f32
        %add3A_155 = vector.broadcast %add3A_154 : f32 to vector<16xf32>
        %add3A_156 = arith.addf %add3A_155, %mul3A_153 : vector<16xf32>
        %mul3A_157 = arith.constant 2.000000e+00 : f32
        %mul3A_158 = vector.broadcast %mul3A_157 : f32 to vector<16xf32>
        %mul3A_159 = arith.mulf %mul3A_158, %div3A : vector<16xf32>
        %mul3A_160 = arith.constant 2.000000e+00 : f32
        %mul3A_161 = vector.broadcast %mul3A_160 : f32 to vector<16xf32>
        %mul3A_162 = arith.mulf %mul3A_161, %div3A : vector<16xf32>
        %mul3A_163 = arith.mulf %mul3A_162, %mul3A_142 : vector<16xf32>
        %mul3A_164 = arith.mulf %mul3A_163, %add3A_156 : vector<16xf32>
        %add3A_165 = arith.addf %mul3A_159, %mul3A_164 : vector<16xf32>
        %eq3A_166 = arith.constant 0.000000e+00 : f32
        %eq3A_167 = vector.broadcast %eq3A_166 : f32 to vector<16xf32>
        %eq3A_168 = arith.cmpf oeq, %gather3A_95, %eq3A_167 : vector<16xf32>
        %mul3A_169 = arith.constant 0.693147182 : f32
        %mul3A_170 = vector.broadcast %mul3A_169 : f32 to vector<16xf32>
        %mul3A_171 = arith.mulf %convert_element_type3A_135, %mul3A_170 : vector<16xf32>
        %add3A_172 = arith.addf %mul3A_171, %add3A_165 : vector<16xf32>
        %jit3A_173 = arith.constant 0xFF800000 : f32
        %broadcast_in_dim3A_174 = vector.broadcast %jit3A_173 : f32 to vector<16xf32>
        %select_n3A_175 = arith.select %eq3A_168, %broadcast_in_dim3A_174, %add3A_172 : vector<16xi1>, vector<16xf32>
        %neg3A = arith.constant 0.000000e+00 : f32
        %neg3A_176 = vector.broadcast %neg3A : f32 to vector<16xf32>
        %neg3A_177 = arith.subf %neg3A_176, %select_n3A_175 : vector<16xf32>
        %mul3A_178 = arith.mulf %neg3A_177, %mul3A_112 : vector<16xf32>
        %sub3A_179 = arith.constant 1.000000e+00 : f32
        %sub3A_180 = vector.broadcast %sub3A_179 : f32 to vector<16xf32>
        %sub3A_181 = arith.subf %sub3A_180, %gather3A_95 : vector<16xf32>
        %bitcast3A_182 = vector.bitcast %sub3A_181 : vector<16xf32> to vector<16xi32>
        %shift_right_arithmetic3A_183 = arith.constant 23 : i32
        %shift_right_arithmetic3A_184 = vector.broadcast %shift_right_arithmetic3A_183 : i32 to vector<16xi32>
        %shift_right_arithmetic3A_185 = arith.shrsi %bitcast3A_182, %shift_right_arithmetic3A_184 : vector<16xi32>
        %sub3A_186 = arith.constant 127 : i32
        %sub3A_187 = vector.broadcast %sub3A_186 : i32 to vector<16xi32>
        %sub3A_188 = arith.subi %shift_right_arithmetic3A_185, %sub3A_187 : vector<16xi32>
        %and3A_189 = arith.constant 8388607 : i32
        %and3A_190 = vector.broadcast %and3A_189 : i32 to vector<16xi32>
        %and3A_191 = arith.andi %bitcast3A_182, %and3A_190 : vector<16xi32>
        %or3A_192 = arith.constant 1065353216 : i32
        %or3A_193 = vector.broadcast %or3A_192 : i32 to vector<16xi32>
        %or3A_194 = arith.ori %and3A_191, %or3A_193 : vector<16xi32>
        %bitcast3A_195 = vector.bitcast %or3A_194 : vector<16xi32> to vector<16xf32>
        %gt3A_196 = arith.constant 1.41421354 : f32
        %gt3A_197 = vector.broadcast %gt3A_196 : f32 to vector<16xf32>
        %gt3A_198 = arith.cmpf ogt, %bitcast3A_195, %gt3A_197 : vector<16xf32>
        %mul3A_199 = arith.constant 5.000000e-01 : f32
        %mul3A_200 = vector.broadcast %mul3A_199 : f32 to vector<16xf32>
        %mul3A_201 = arith.mulf %bitcast3A_195, %mul3A_200 : vector<16xf32>
        %select_n3A_202 = arith.select %gt3A_198, %mul3A_201, %bitcast3A_195 : vector<16xi1>, vector<16xf32>
        %convert_element_type3A_203 = arith.extui %gt3A_198 : vector<16xi1> to vector<16xi32>
        %add3A_204 = arith.addi %sub3A_188, %convert_element_type3A_203 : vector<16xi32>
        %convert_element_type3A_205 = arith.sitofp %add3A_204 : vector<16xi32> to vector<16xf32>
        %sub3A_206 = arith.constant 1.000000e+00 : f32
        %sub3A_207 = vector.broadcast %sub3A_206 : f32 to vector<16xf32>
        %sub3A_208 = arith.subf %select_n3A_202, %sub3A_207 : vector<16xf32>
        %add3A_209 = arith.constant 1.000000e+00 : f32
        %add3A_210 = vector.broadcast %add3A_209 : f32 to vector<16xf32>
        %add3A_211 = arith.addf %select_n3A_202, %add3A_210 : vector<16xf32>
        %div3A_212 = arith.divf %sub3A_208, %add3A_211 : vector<16xf32>
        %mul3A_213 = arith.mulf %div3A_212, %div3A_212 : vector<16xf32>
        %mul3A_214 = arith.constant 0.111111112 : f32
        %mul3A_215 = vector.broadcast %mul3A_214 : f32 to vector<16xf32>
        %mul3A_216 = arith.mulf %mul3A_213, %mul3A_215 : vector<16xf32>
        %add3A_217 = arith.constant 0.142857149 : f32
        %add3A_218 = vector.broadcast %add3A_217 : f32 to vector<16xf32>
        %add3A_219 = arith.addf %add3A_218, %mul3A_216 : vector<16xf32>
        %mul3A_220 = arith.mulf %mul3A_213, %add3A_219 : vector<16xf32>
        %add3A_221 = arith.constant 2.000000e-01 : f32
        %add3A_222 = vector.broadcast %add3A_221 : f32 to vector<16xf32>
        %add3A_223 = arith.addf %add3A_222, %mul3A_220 : vector<16xf32>
        %mul3A_224 = arith.mulf %mul3A_213, %add3A_223 : vector<16xf32>
        %add3A_225 = arith.constant 0.333333343 : f32
        %add3A_226 = vector.broadcast %add3A_225 : f32 to vector<16xf32>
        %add3A_227 = arith.addf %add3A_226, %mul3A_224 : vector<16xf32>
        %mul3A_228 = arith.constant 2.000000e+00 : f32
        %mul3A_229 = vector.broadcast %mul3A_228 : f32 to vector<16xf32>
        %mul3A_230 = arith.mulf %mul3A_229, %div3A_212 : vector<16xf32>
        %mul3A_231 = arith.constant 2.000000e+00 : f32
        %mul3A_232 = vector.broadcast %mul3A_231 : f32 to vector<16xf32>
        %mul3A_233 = arith.mulf %mul3A_232, %div3A_212 : vector<16xf32>
        %mul3A_234 = arith.mulf %mul3A_233, %mul3A_213 : vector<16xf32>
        %mul3A_235 = arith.mulf %mul3A_234, %add3A_227 : vector<16xf32>
        %add3A_236 = arith.addf %mul3A_230, %mul3A_235 : vector<16xf32>
        %eq3A_237 = arith.constant 0.000000e+00 : f32
        %eq3A_238 = vector.broadcast %eq3A_237 : f32 to vector<16xf32>
        %eq3A_239 = arith.cmpf oeq, %sub3A_181, %eq3A_238 : vector<16xf32>
        %mul3A_240 = arith.constant 0.693147182 : f32
        %mul3A_241 = vector.broadcast %mul3A_240 : f32 to vector<16xf32>
        %mul3A_242 = arith.mulf %convert_element_type3A_205, %mul3A_241 : vector<16xf32>
        %add3A_243 = arith.addf %mul3A_242, %add3A_236 : vector<16xf32>
        %jit3A_244 = arith.constant 0xFF800000 : f32
        %broadcast_in_dim3A_245 = vector.broadcast %jit3A_244 : f32 to vector<16xf32>
        %select_n3A_246 = arith.select %eq3A_239, %broadcast_in_dim3A_245, %add3A_243 : vector<16xi1>, vector<16xf32>
        %neg3A_247 = arith.constant 0.000000e+00 : f32
        %neg3A_248 = vector.broadcast %neg3A_247 : f32 to vector<16xf32>
        %neg3A_249 = arith.subf %neg3A_248, %select_n3A_246 : vector<16xf32>
        %mul3A_250 = arith.mulf %mul3A_116, %mul3A_116 : vector<16xf32>
        %mul3A_251 = arith.mulf %neg3A_249, %mul3A_250 : vector<16xf32>
        %mul3A_252 = arith.mulf %mul3A_251, %mul3A_112 : vector<16xf32>
        %eq3A_253 = arith.constant 1.000000e+00 : f32
        %eq3A_254 = vector.broadcast %eq3A_253 : f32 to vector<16xf32>
        %eq3A_255 = arith.cmpf oeq, %exp3A, %eq3A_254 : vector<16xf32>
        %select_n3A_256 = arith.select %eq3A_255, %mul3A_178, %mul3A_252 : vector<16xi1>, vector<16xf32>
        %convert_element_type3A_257 = arith.extui %and3A_88 : vector<16xi1> to vector<16xi32>
        %convert_element_type3A_258 = arith.sitofp %convert_element_type3A_257 : vector<16xi32> to vector<16xf32>
        %mul3A_259 = arith.mulf %select_n3A_256, %convert_element_type3A_258 : vector<16xf32>
        %add3A_260 = arith.addf %scan3A_75, %mul3A_259 : vector<16xf32>
        %add3A_261 = arith.addf %scan3A_76, %convert_element_type3A_258 : vector<16xf32>
        %scan3A_262 = arith.constant 1 : i32
        %scan3A_263 = arith.addi %scan3A_74, %scan3A_262 : i32
        %sub3A_264 = arith.constant 3 : i32
        %sub3A_265 = arith.subi %scan3A_263, %sub3A_264 : i32
        %add3A_266 = vector.broadcast %sub3A_265 : i32 to vector<16xi32>
        %add3A_267 = arith.addi %gather3A_12, %add3A_266 : vector<16xi32>
        %ge3A_268 = arith.constant 0 : i32
        %ge3A_269 = vector.broadcast %ge3A_268 : i32 to vector<16xi32>
        %ge3A_270 = arith.cmpi sge, %add3A_267, %ge3A_269 : vector<16xi32>
        %and3A_271 = arith.andi %and3A_58, %ge3A_270 : vector<16xi1>
        %lt3A_272 = arith.constant 512 : i32
        %lt3A_273 = vector.broadcast %lt3A_272 : i32 to vector<16xi32>
        %lt3A_274 = arith.cmpi slt, %add3A_267, %lt3A_273 : vector<16xi32>
        %and3A_275 = arith.andi %and3A_271, %lt3A_274 : vector<16xi1>
        %jit3A_276 = arith.constant 0 : i32
        %jit3A_277 = arith.constant 511 : i32
        %max3A_278 = vector.broadcast %jit3A_276 : i32 to vector<16xi32>
        %max3A_279 = arith.maxsi %max3A_278, %add3A_267 : vector<16xi32>
        %min3A_280 = vector.broadcast %jit3A_277 : i32 to vector<16xi32>
        %min3A_281 = arith.minsi %min3A_280, %max3A_279 : vector<16xi32>
        %gather3A_282 = tpu.vector_load_idx %arg7[%iota3A, %min3A_281] : memref<16x512xf32, #tpu.memory_space<vmem>>[vector<16xi32>, vector<16xi32>], vector<16xf32>,
        %convert_element_type3A_283 = arith.sitofp %add3A_267 : vector<16xi32> to vector<16xf32>
        %mul3A_284 = arith.mulf %convert_element_type3A_283, %convert_element_type3A_283 : vector<16xf32>
        %mul3A_285 = arith.constant 1.600000e+01 : f32
        %mul3A_286 = vector.broadcast %mul3A_285 : f32 to vector<16xf32>
        %mul3A_287 = arith.mulf %mul3A_286, %mul3A_284 : vector<16xf32>
        %add3A_288 = arith.addf %add3A_52, %mul3A_287 : vector<16xf32>
        %mul3A_289 = vector.broadcast %reduce_sum3A_32 : f32 to vector<16xf32>
        %mul3A_290 = arith.mulf %convert_element_type3A_283, %mul3A_289 : vector<16xf32>
        %mul3A_291 = arith.constant 2.000000e+00 : f32
        %mul3A_292 = vector.broadcast %mul3A_291 : f32 to vector<16xf32>
        %mul3A_293 = arith.mulf %mul3A_292, %mul3A_290 : vector<16xf32>
        %sub3A_294 = arith.subf %add3A_288, %mul3A_293 : vector<16xf32>
        %mul3A_295 = arith.constant -2.000000e-01 : f32
        %mul3A_296 = vector.broadcast %mul3A_295 : f32 to vector<16xf32>
        %mul3A_297 = arith.mulf %sub3A_294, %mul3A_296 : vector<16xf32>
        %exp3A_298 = math.exp %mul3A_297 : vector<16xf32>
        %sub3A_299 = arith.subf %gather3A_282, %exp3A_298 : vector<16xf32>
        %mul3A_300 = arith.mulf %sub3A_299, %sub3A_299 : vector<16xf32>
        %sub3A_301 = arith.constant 1.000000e+00 : f32
        %sub3A_302 = vector.broadcast %sub3A_301 : f32 to vector<16xf32>
        %sub3A_303 = arith.subf %sub3A_302, %exp3A_298 : vector<16xf32>
        %mul3A_304 = arith.mulf %sub3A_303, %sub3A_303 : vector<16xf32>
        %bitcast3A_305 = vector.bitcast %gather3A_282 : vector<16xf32> to vector<16xi32>
        %shift_right_arithmetic3A_306 = arith.constant 23 : i32
        %shift_right_arithmetic3A_307 = vector.broadcast %shift_right_arithmetic3A_306 : i32 to vector<16xi32>
        %shift_right_arithmetic3A_308 = arith.shrsi %bitcast3A_305, %shift_right_arithmetic3A_307 : vector<16xi32>
        %sub3A_309 = arith.constant 127 : i32
        %sub3A_310 = vector.broadcast %sub3A_309 : i32 to vector<16xi32>
        %sub3A_311 = arith.subi %shift_right_arithmetic3A_308, %sub3A_310 : vector<16xi32>
        %and3A_312 = arith.constant 8388607 : i32
        %and3A_313 = vector.broadcast %and3A_312 : i32 to vector<16xi32>
        %and3A_314 = arith.andi %bitcast3A_305, %and3A_313 : vector<16xi32>
        %or3A_315 = arith.constant 1065353216 : i32
        %or3A_316 = vector.broadcast %or3A_315 : i32 to vector<16xi32>
        %or3A_317 = arith.ori %and3A_314, %or3A_316 : vector<16xi32>
        %bitcast3A_318 = vector.bitcast %or3A_317 : vector<16xi32> to vector<16xf32>
        %gt3A_319 = arith.constant 1.41421354 : f32
        %gt3A_320 = vector.broadcast %gt3A_319 : f32 to vector<16xf32>
        %gt3A_321 = arith.cmpf ogt, %bitcast3A_318, %gt3A_320 : vector<16xf32>
        %mul3A_322 = arith.constant 5.000000e-01 : f32
        %mul3A_323 = vector.broadcast %mul3A_322 : f32 to vector<16xf32>
        %mul3A_324 = arith.mulf %bitcast3A_318, %mul3A_323 : vector<16xf32>
        %select_n3A_325 = arith.select %gt3A_321, %mul3A_324, %bitcast3A_318 : vector<16xi1>, vector<16xf32>
        %convert_element_type3A_326 = arith.extui %gt3A_321 : vector<16xi1> to vector<16xi32>
        %add3A_327 = arith.addi %sub3A_311, %convert_element_type3A_326 : vector<16xi32>
        %convert_element_type3A_328 = arith.sitofp %add3A_327 : vector<16xi32> to vector<16xf32>
        %sub3A_329 = arith.constant 1.000000e+00 : f32
        %sub3A_330 = vector.broadcast %sub3A_329 : f32 to vector<16xf32>
        %sub3A_331 = arith.subf %select_n3A_325, %sub3A_330 : vector<16xf32>
        %add3A_332 = arith.constant 1.000000e+00 : f32
        %add3A_333 = vector.broadcast %add3A_332 : f32 to vector<16xf32>
        %add3A_334 = arith.addf %select_n3A_325, %add3A_333 : vector<16xf32>
        %div3A_335 = arith.divf %sub3A_331, %add3A_334 : vector<16xf32>
        %mul3A_336 = arith.mulf %div3A_335, %div3A_335 : vector<16xf32>
        %mul3A_337 = arith.constant 0.111111112 : f32
        %mul3A_338 = vector.broadcast %mul3A_337 : f32 to vector<16xf32>
        %mul3A_339 = arith.mulf %mul3A_336, %mul3A_338 : vector<16xf32>
        %add3A_340 = arith.constant 0.142857149 : f32
        %add3A_341 = vector.broadcast %add3A_340 : f32 to vector<16xf32>
        %add3A_342 = arith.addf %add3A_341, %mul3A_339 : vector<16xf32>
        %mul3A_343 = arith.mulf %mul3A_336, %add3A_342 : vector<16xf32>
        %add3A_344 = arith.constant 2.000000e-01 : f32
        %add3A_345 = vector.broadcast %add3A_344 : f32 to vector<16xf32>
        %add3A_346 = arith.addf %add3A_345, %mul3A_343 : vector<16xf32>
        %mul3A_347 = arith.mulf %mul3A_336, %add3A_346 : vector<16xf32>
        %add3A_348 = arith.constant 0.333333343 : f32
        %add3A_349 = vector.broadcast %add3A_348 : f32 to vector<16xf32>
        %add3A_350 = arith.addf %add3A_349, %mul3A_347 : vector<16xf32>
        %mul3A_351 = arith.constant 2.000000e+00 : f32
        %mul3A_352 = vector.broadcast %mul3A_351 : f32 to vector<16xf32>
        %mul3A_353 = arith.mulf %mul3A_352, %div3A_335 : vector<16xf32>
        %mul3A_354 = arith.constant 2.000000e+00 : f32
        %mul3A_355 = vector.broadcast %mul3A_354 : f32 to vector<16xf32>
        %mul3A_356 = arith.mulf %mul3A_355, %div3A_335 : vector<16xf32>
        %mul3A_357 = arith.mulf %mul3A_356, %mul3A_336 : vector<16xf32>
        %mul3A_358 = arith.mulf %mul3A_357, %add3A_350 : vector<16xf32>
        %add3A_359 = arith.addf %mul3A_353, %mul3A_358 : vector<16xf32>
        %eq3A_360 = arith.constant 0.000000e+00 : f32
        %eq3A_361 = vector.broadcast %eq3A_360 : f32 to vector<16xf32>
        %eq3A_362 = arith.cmpf oeq, %gather3A_282, %eq3A_361 : vector<16xf32>
        %mul3A_363 = arith.constant 0.693147182 : f32
        %mul3A_364 = vector.broadcast %mul3A_363 : f32 to vector<16xf32>
        %mul3A_365 = arith.mulf %convert_element_type3A_328, %mul3A_364 : vector<16xf32>
        %add3A_366 = arith.addf %mul3A_365, %add3A_359 : vector<16xf32>
        %jit3A_367 = arith.constant 0xFF800000 : f32
        %broadcast_in_dim3A_368 = vector.broadcast %jit3A_367 : f32 to vector<16xf32>
        %select_n3A_369 = arith.select %eq3A_362, %broadcast_in_dim3A_368, %add3A_366 : vector<16xi1>, vector<16xf32>
        %neg3A_370 = arith.constant 0.000000e+00 : f32
        %neg3A_371 = vector.broadcast %neg3A_370 : f32 to vector<16xf32>
        %neg3A_372 = arith.subf %neg3A_371, %select_n3A_369 : vector<16xf32>
        %mul3A_373 = arith.mulf %neg3A_372, %mul3A_300 : vector<16xf32>
        %sub3A_374 = arith.constant 1.000000e+00 : f32
        %sub3A_375 = vector.broadcast %sub3A_374 : f32 to vector<16xf32>
        %sub3A_376 = arith.subf %sub3A_375, %gather3A_282 : vector<16xf32>
        %bitcast3A_377 = vector.bitcast %sub3A_376 : vector<16xf32> to vector<16xi32>
        %shift_right_arithmetic3A_378 = arith.constant 23 : i32
        %shift_right_arithmetic3A_379 = vector.broadcast %shift_right_arithmetic3A_378 : i32 to vector<16xi32>
        %shift_right_arithmetic3A_380 = arith.shrsi %bitcast3A_377, %shift_right_arithmetic3A_379 : vector<16xi32>
        %sub3A_381 = arith.constant 127 : i32
        %sub3A_382 = vector.broadcast %sub3A_381 : i32 to vector<16xi32>
        %sub3A_383 = arith.subi %shift_right_arithmetic3A_380, %sub3A_382 : vector<16xi32>
        %and3A_384 = arith.constant 8388607 : i32
        %and3A_385 = vector.broadcast %and3A_384 : i32 to vector<16xi32>
        %and3A_386 = arith.andi %bitcast3A_377, %and3A_385 : vector<16xi32>
        %or3A_387 = arith.constant 1065353216 : i32
        %or3A_388 = vector.broadcast %or3A_387 : i32 to vector<16xi32>
        %or3A_389 = arith.ori %and3A_386, %or3A_388 : vector<16xi32>
        %bitcast3A_390 = vector.bitcast %or3A_389 : vector<16xi32> to vector<16xf32>
        %gt3A_391 = arith.constant 1.41421354 : f32
        %gt3A_392 = vector.broadcast %gt3A_391 : f32 to vector<16xf32>
        %gt3A_393 = arith.cmpf ogt, %bitcast3A_390, %gt3A_392 : vector<16xf32>
        %mul3A_394 = arith.constant 5.000000e-01 : f32
        %mul3A_395 = vector.broadcast %mul3A_394 : f32 to vector<16xf32>
        %mul3A_396 = arith.mulf %bitcast3A_390, %mul3A_395 : vector<16xf32>
        %select_n3A_397 = arith.select %gt3A_393, %mul3A_396, %bitcast3A_390 : vector<16xi1>, vector<16xf32>
        %convert_element_type3A_398 = arith.extui %gt3A_393 : vector<16xi1> to vector<16xi32>
        %add3A_399 = arith.addi %sub3A_383, %convert_element_type3A_398 : vector<16xi32>
        %convert_element_type3A_400 = arith.sitofp %add3A_399 : vector<16xi32> to vector<16xf32>
        %sub3A_401 = arith.constant 1.000000e+00 : f32
        %sub3A_402 = vector.broadcast %sub3A_401 : f32 to vector<16xf32>
        %sub3A_403 = arith.subf %select_n3A_397, %sub3A_402 : vector<16xf32>
        %add3A_404 = arith.constant 1.000000e+00 : f32
        %add3A_405 = vector.broadcast %add3A_404 : f32 to vector<16xf32>
        %add3A_406 = arith.addf %select_n3A_397, %add3A_405 : vector<16xf32>
        %div3A_407 = arith.divf %sub3A_403, %add3A_406 : vector<16xf32>
        %mul3A_408 = arith.mulf %div3A_407, %div3A_407 : vector<16xf32>
        %mul3A_409 = arith.constant 0.111111112 : f32
        %mul3A_410 = vector.broadcast %mul3A_409 : f32 to vector<16xf32>
        %mul3A_411 = arith.mulf %mul3A_408, %mul3A_410 : vector<16xf32>
        %add3A_412 = arith.constant 0.142857149 : f32
        %add3A_413 = vector.broadcast %add3A_412 : f32 to vector<16xf32>
        %add3A_414 = arith.addf %add3A_413, %mul3A_411 : vector<16xf32>
        %mul3A_415 = arith.mulf %mul3A_408, %add3A_414 : vector<16xf32>
        %add3A_416 = arith.constant 2.000000e-01 : f32
        %add3A_417 = vector.broadcast %add3A_416 : f32 to vector<16xf32>
        %add3A_418 = arith.addf %add3A_417, %mul3A_415 : vector<16xf32>
        %mul3A_419 = arith.mulf %mul3A_408, %add3A_418 : vector<16xf32>
        %add3A_420 = arith.constant 0.333333343 : f32
        %add3A_421 = vector.broadcast %add3A_420 : f32 to vector<16xf32>
        %add3A_422 = arith.addf %add3A_421, %mul3A_419 : vector<16xf32>
        %mul3A_423 = arith.constant 2.000000e+00 : f32
        %mul3A_424 = vector.broadcast %mul3A_423 : f32 to vector<16xf32>
        %mul3A_425 = arith.mulf %mul3A_424, %div3A_407 : vector<16xf32>
        %mul3A_426 = arith.constant 2.000000e+00 : f32
        %mul3A_427 = vector.broadcast %mul3A_426 : f32 to vector<16xf32>
        %mul3A_428 = arith.mulf %mul3A_427, %div3A_407 : vector<16xf32>
        %mul3A_429 = arith.mulf %mul3A_428, %mul3A_408 : vector<16xf32>
        %mul3A_430 = arith.mulf %mul3A_429, %add3A_422 : vector<16xf32>
        %add3A_431 = arith.addf %mul3A_425, %mul3A_430 : vector<16xf32>
        %eq3A_432 = arith.constant 0.000000e+00 : f32
        %eq3A_433 = vector.broadcast %eq3A_432 : f32 to vector<16xf32>
        %eq3A_434 = arith.cmpf oeq, %sub3A_376, %eq3A_433 : vector<16xf32>
        %mul3A_435 = arith.constant 0.693147182 : f32
        %mul3A_436 = vector.broadcast %mul3A_435 : f32 to vector<16xf32>
        %mul3A_437 = arith.mulf %convert_element_type3A_400, %mul3A_436 : vector<16xf32>
        %add3A_438 = arith.addf %mul3A_437, %add3A_431 : vector<16xf32>
        %jit3A_439 = arith.constant 0xFF800000 : f32
        %broadcast_in_dim3A_440 = vector.broadcast %jit3A_439 : f32 to vector<16xf32>
        %select_n3A_441 = arith.select %eq3A_434, %broadcast_in_dim3A_440, %add3A_438 : vector<16xi1>, vector<16xf32>
        %neg3A_442 = arith.constant 0.000000e+00 : f32
        %neg3A_443 = vector.broadcast %neg3A_442 : f32 to vector<16xf32>
        %neg3A_444 = arith.subf %neg3A_443, %select_n3A_441 : vector<16xf32>
        %mul3A_445 = arith.mulf %mul3A_304, %mul3A_304 : vector<16xf32>
        %mul3A_446 = arith.mulf %neg3A_444, %mul3A_445 : vector<16xf32>
        %mul3A_447 = arith.mulf %mul3A_446, %mul3A_300 : vector<16xf32>
        %eq3A_448 = arith.constant 1.000000e+00 : f32
        %eq3A_449 = vector.broadcast %eq3A_448 : f32 to vector<16xf32>
        %eq3A_450 = arith.cmpf oeq, %exp3A_298, %eq3A_449 : vector<16xf32>
        %select_n3A_451 = arith.select %eq3A_450, %mul3A_373, %mul3A_447 : vector<16xi1>, vector<16xf32>
        %convert_element_type3A_452 = arith.extui %and3A_275 : vector<16xi1> to vector<16xi32>
        %convert_element_type3A_453 = arith.sitofp %convert_element_type3A_452 : vector<16xi32> to vector<16xf32>
        %mul3A_454 = arith.mulf %select_n3A_451, %convert_element_type3A_453 : vector<16xf32>
        %add3A_455 = arith.addf %add3A_260, %mul3A_454 : vector<16xf32>
        %add3A_456 = arith.addf %add3A_261, %convert_element_type3A_453 : vector<16xf32>
        scf.yield %add3A_455, %add3A_456 : vector<16xf32>, vector<16xf32>
      }
      %scan3A_67 = arith.constant 6 : i32
      %swap3A_68 = arith.constant 0 : index
      %swap3A_69 = tpu.vector_load %arg8[%swap3A_68] {strides = array<i32>} : memref<32xf32, #tpu.memory_space<vmem>>, vector<16xf32>,
      tpu.vector_store %arg8[%swap3A_68], %scan3A_66#0 {strides = array<i32>} : memref<32xf32, #tpu.memory_space<vmem>>, vector<16xf32>,
      %swap3A_70 = arith.constant 16 : index
      %swap3A_71 = tpu.vector_load %arg8[%swap3A_70] {strides = array<i32>} : memref<32xf32, #tpu.memory_space<vmem>>, vector<16xf32>,
      tpu.vector_store %arg8[%swap3A_70], %scan3A_66#1 {strides = array<i32>} : memref<32xf32, #tpu.memory_space<vmem>>, vector<16xf32>,
      %mul3A_72 = arith.constant 32 : i32
      %mul3A_73 = arith.muli %mul3A_72, %arg1 : i32
      "tpu.region"() ({
        %run_scoped3A = tpu.sem_alloc : memref<!tpu.dma_semaphore, #tpu.memory_space<semaphore_mem>>
        %dma_start3A_74 = tpu.memref_slice %arg11[%mul3A_73] : memref<192xf32, #tpu.memory_space<vmem_shared>> -> memref<32xf32, #tpu.memory_space<vmem_shared>>
        %dma_start3A_75 = tpu.memref_slice %arg11[%mul3A_73] : memref<192xf32, #tpu.memory_space<vmem_shared>> -> memref<32xf32, #tpu.memory_space<vmem_shared>>
        tpu.enqueue_dma source(%arg8 : memref<32xf32, #tpu.memory_space<vmem>>) target(%dma_start3A_75 : memref<32xf32, #tpu.memory_space<vmem_shared>>) target_semaphore(%run_scoped3A : memref<!tpu.dma_semaphore, #tpu.memory_space<semaphore_mem>>)
        %dma_wait3A_76 = tpu.memref_slice %arg11[%mul3A_73] : memref<192xf32, #tpu.memory_space<vmem_shared>> -> memref<32xf32, #tpu.memory_space<vmem_shared>>
        %dma_wait3A_77 = tpu.memref_slice %arg11[%mul3A_73] : memref<192xf32, #tpu.memory_space<vmem_shared>> -> memref<32xf32, #tpu.memory_space<vmem_shared>>
        tpu.wait_dma2 semaphore(%run_scoped3A : memref<!tpu.dma_semaphore, #tpu.memory_space<semaphore_mem>>) src(%arg8 : memref<32xf32, #tpu.memory_space<vmem>>) dst(%dma_wait3A_77 : memref<32xf32, #tpu.memory_space<vmem_shared>>)
        tpu.yield
      }) : () -> ()
    } else {
    }
    %barrier3A = arith.constant 0 : index
    tpu.barrier barrier_id(%barrier3A)
    %eq3A_3 = arith.constant 0 : i32
    %eq3A_4 = arith.cmpi eq, %arg1, %eq3A_3 : i32
    %and3A_5 = arith.andi %eq3A_0, %eq3A_4 : i1
    %convert_element_type3A_6 = arith.extui %and3A_5 : i1 to i32
    %cond3A_7 = arith.constant 0 : i32
    %cond3A_8 = arith.cmpi ne, %convert_element_type3A_6, %cond3A_7 : i32
    scf.if %cond3A_8 {
      "tpu.region"() ({
        %run_scoped3A = tpu.sem_alloc : memref<!tpu.dma_semaphore, #tpu.memory_space<semaphore_mem>>
        tpu.enqueue_dma source(%arg11 : memref<192xf32, #tpu.memory_space<vmem_shared>>) target(%arg9 : memref<192xf32, #tpu.memory_space<vmem>>) target_semaphore(%run_scoped3A : memref<!tpu.dma_semaphore, #tpu.memory_space<semaphore_mem>>)
        tpu.wait_dma2 semaphore(%run_scoped3A : memref<!tpu.dma_semaphore, #tpu.memory_space<semaphore_mem>>) src(%arg11 : memref<192xf32, #tpu.memory_space<vmem_shared>>) dst(%arg9 : memref<192xf32, #tpu.memory_space<vmem>>)
        tpu.yield
      }) : () -> ()
      %get3A = arith.constant 0 : index
      %get3A_9 = tpu.vector_load %arg9[%get3A] {strides = array<i32>} : memref<192xf32, #tpu.memory_space<vmem>>, vector<16xf32>,
      %get3A_10 = arith.constant 16 : index
      %get3A_11 = tpu.vector_load %arg9[%get3A_10] {strides = array<i32>} : memref<192xf32, #tpu.memory_space<vmem>>, vector<16xf32>,
      %get3A_12 = arith.constant 32 : index
      %get3A_13 = tpu.vector_load %arg9[%get3A_12] {strides = array<i32>} : memref<192xf32, #tpu.memory_space<vmem>>, vector<16xf32>,
      %add3A = arith.addf %get3A_9, %get3A_13 : vector<16xf32>
      %get3A_14 = arith.constant 48 : index
      %get3A_15 = tpu.vector_load %arg9[%get3A_14] {strides = array<i32>} : memref<192xf32, #tpu.memory_space<vmem>>, vector<16xf32>,
      %add3A_16 = arith.addf %get3A_11, %get3A_15 : vector<16xf32>
      %get3A_17 = arith.constant 64 : index
      %get3A_18 = tpu.vector_load %arg9[%get3A_17] {strides = array<i32>} : memref<192xf32, #tpu.memory_space<vmem>>, vector<16xf32>,
      %add3A_19 = arith.addf %add3A, %get3A_18 : vector<16xf32>
      %get3A_20 = arith.constant 80 : index
      %get3A_21 = tpu.vector_load %arg9[%get3A_20] {strides = array<i32>} : memref<192xf32, #tpu.memory_space<vmem>>, vector<16xf32>,
      %add3A_22 = arith.addf %add3A_16, %get3A_21 : vector<16xf32>
      %get3A_23 = arith.constant 96 : index
      %get3A_24 = tpu.vector_load %arg9[%get3A_23] {strides = array<i32>} : memref<192xf32, #tpu.memory_space<vmem>>, vector<16xf32>,
      %add3A_25 = arith.addf %add3A_19, %get3A_24 : vector<16xf32>
      %get3A_26 = arith.constant 112 : index
      %get3A_27 = tpu.vector_load %arg9[%get3A_26] {strides = array<i32>} : memref<192xf32, #tpu.memory_space<vmem>>, vector<16xf32>,
      %add3A_28 = arith.addf %add3A_22, %get3A_27 : vector<16xf32>
      %get3A_29 = arith.constant 128 : index
      %get3A_30 = tpu.vector_load %arg9[%get3A_29] {strides = array<i32>} : memref<192xf32, #tpu.memory_space<vmem>>, vector<16xf32>,
      %add3A_31 = arith.addf %add3A_25, %get3A_30 : vector<16xf32>
      %get3A_32 = arith.constant 144 : index
      %get3A_33 = tpu.vector_load %arg9[%get3A_32] {strides = array<i32>} : memref<192xf32, #tpu.memory_space<vmem>>, vector<16xf32>,
      %add3A_34 = arith.addf %add3A_28, %get3A_33 : vector<16xf32>
      %get3A_35 = arith.constant 160 : index
      %get3A_36 = tpu.vector_load %arg9[%get3A_35] {strides = array<i32>} : memref<192xf32, #tpu.memory_space<vmem>>, vector<16xf32>,
      %add3A_37 = arith.addf %add3A_31, %get3A_36 : vector<16xf32>
      %get3A_38 = arith.constant 176 : index
      %get3A_39 = tpu.vector_load %arg9[%get3A_38] {strides = array<i32>} : memref<192xf32, #tpu.memory_space<vmem>>, vector<16xf32>,
      %add3A_40 = arith.addf %add3A_34, %get3A_39 : vector<16xf32>
      %broadcast_in_dim3A = arith.constant 0.000000e+00 : f32
      %broadcast_in_dim3A_41 = vector.broadcast %broadcast_in_dim3A : f32 to vector<16xf32>
      %reduce_sum3A = arith.constant true
      %reduce_sum3A_42 = vector.broadcast %reduce_sum3A : i1 to vector<16xi1>
      %reduce_sum3A_43 = tpu.scan <sum>, %add3A_37 masked %reduce_sum3A_42 : vector<16xf32>, vector<16xi1> -> vector<16xf32>
      %reduce_sum3A_44 = vector.extract %reduce_sum3A_43[15] : f32 from vector<16xf32>
      %add3A_45 = vector.broadcast %reduce_sum3A_44 : f32 to vector<16xf32>
      %add3A_46 = arith.addf %broadcast_in_dim3A_41, %add3A_45 : vector<16xf32>
      %reduce_sum3A_47 = arith.constant true
      %reduce_sum3A_48 = vector.broadcast %reduce_sum3A_47 : i1 to vector<16xi1>
      %reduce_sum3A_49 = tpu.scan <sum>, %add3A_40 masked %reduce_sum3A_48 : vector<16xf32>, vector<16xi1> -> vector<16xf32>
      %reduce_sum3A_50 = vector.extract %reduce_sum3A_49[15] : f32 from vector<16xf32>
      %add3A_51 = vector.broadcast %reduce_sum3A_50 : f32 to vector<16xf32>
      %add3A_52 = arith.addf %broadcast_in_dim3A_41, %add3A_51 : vector<16xf32>
      %div3A = arith.divf %add3A_46, %add3A_52 : vector<16xf32>
      %swap3A = arith.constant 0 : index
      %swap3A_53 = tpu.vector_load %arg10[%swap3A] {strides = array<i32>} : memref<16xf32, #tpu.memory_space<vmem>>, vector<16xf32>,
      tpu.vector_store %arg10[%swap3A], %div3A {strides = array<i32>} : memref<16xf32, #tpu.memory_space<vmem>>, vector<16xf32>,
      "tpu.region"() ({
        %run_scoped3A = tpu.sem_alloc : memref<!tpu.dma_semaphore, #tpu.memory_space<semaphore_mem>>
        %dma_start3A = arith.constant 0 : i32
        %dma_start3A_54 = tpu.memref_slice %arg10[%dma_start3A] : memref<16xf32, #tpu.memory_space<vmem>> -> memref<1xf32, #tpu.memory_space<vmem>>
        %dma_start3A_55 = arith.constant 0 : i32
        %dma_start3A_56 = tpu.memref_slice %arg10[%dma_start3A_55] : memref<16xf32, #tpu.memory_space<vmem>> -> memref<1xf32, #tpu.memory_space<vmem>>
        tpu.enqueue_dma source(%dma_start3A_56 : memref<1xf32, #tpu.memory_space<vmem>>) target(%arg4 : memref<1xf32, #tpu.memory_space<hbm>>) target_semaphore(%run_scoped3A : memref<!tpu.dma_semaphore, #tpu.memory_space<semaphore_mem>>)
        %dma_wait3A = arith.constant 0 : i32
        %dma_wait3A_57 = tpu.memref_slice %arg10[%dma_wait3A] : memref<16xf32, #tpu.memory_space<vmem>> -> memref<1xf32, #tpu.memory_space<vmem>>
        %dma_wait3A_58 = arith.constant 0 : i32
        %dma_wait3A_59 = tpu.memref_slice %arg10[%dma_wait3A_58] : memref<16xf32, #tpu.memory_space<vmem>> -> memref<1xf32, #tpu.memory_space<vmem>>
        tpu.wait_dma2 semaphore(%run_scoped3A : memref<!tpu.dma_semaphore, #tpu.memory_space<semaphore_mem>>) src(%dma_wait3A_59 : memref<1xf32, #tpu.memory_space<vmem>>) dst(%arg4 : memref<1xf32, #tpu.memory_space<hbm>>)
        tpu.yield
      }) : () -> ()
    } else {
    }
    return
  }
}

</mosaic_0001>

<sc_bundles>
// kernel: kernel.3.cloned.1.call-start
scs
__scs_entry_jumppad:
0x0: {  	(pc) =	sbr.rel $0x88, $3  }
0x1: {  	(tag) =	ssettag $0x0;
	lr =	simm.s32 $0x1  }
0x2: {  	[smem:$0x3F9F] =	sst lr;
	_ =	strace $0xD0000000  }
0x3: {  	_ = 	snop  }
0x4: {  	_ = 	snop  }
0x5: {  	_ = 	snop  }
0x6: {  	_ = 	snop  }
0x7: {  	_ = 	snop  }
__scs_overlays_trampoline_lowered:
0x8: {  	[smem:$0x3FAE] =	sst s0  }
0x9: {  	[smem:$0x3FAF] =	sst s1  }
0xa: {  	[smem:$0x3FB0] =	sst s2  }
0xb: {  	[smem:$0x3FB1] =	sst s3  }
0xc: {  	[smem:$0x3FB2] =	sst s4  }
0xd: {  	[smem:$0x3FB3] =	sst s5  }
0xe: {  	[smem:$0x3FB4] =	sst s6  }
0xf: {  	[smem:$0x3FB5] =	sst s7  }
0x10: {  	[smem:$0x3FB6] =	sst s8  }
0x11: {  	[smem:$0x3FB7] =	sst s9;
	s0 =	simm.s32 @!p0 $0x0  }
0x12: {  	s1 =	sld [smem:$0x3F9D];
	s0 =	simm.s32 @p0 $0x1  }
0x13: {  	[smem:$0x3FB8] =	sst s0;
	s0 =	simm.s32 @!p1 $0x0  }
0x14: {  	s2 =	sld [smem:$0x3F9C];
	s0 =	simm.s32 @p1 $0x1  }
0x15: {  	[smem:$0x3FB9] =	sst s0;
	s0 =	simm.s32 @!p2 $0x0  }
0x16: {  	s3 =	sld [smem:$0x3FDB];
	s0 =	simm.s32 @p2 $0x1  }
0x17: {  	s4 =	simm.s32 $0x1BF5;
	[smem:$0x3FBB] =	sst s0  }
0x18: {  	s0 =	sld [smem:$0x3F9E];
	_ =	swait.ge [sflag:s4], $0x0  }
0x19: {  	s7 =	sld [smem:$0x3F9F]  }
0x1a: {  	s8 =	sadd.s32 $0xFFFFE003, lr  }
0x1b: {  	s9 =	sadd.s32 $0xFFFFFEF7, lr;
	s5 =	simm.s32 $0xFFFFFFFF;
	p2 =	slt.u32 s8, $0xFFFFF086  }
0x1c: {  	p1 =	slt.u32 s9, $0xF7A;
	s5 =	simm.s32 @!p2 $0x0  }
0x1d: {  	s5 =	simm.s32 @p1 $0x1;
	p0 =	seq.s32 s7, s2  }
0x1e: {  	s7 =	smul.u32 @!p0 $0xF7A, s2;
	p2 =	seq.s32 @!p0 s5, $0x0  }
0x1f: {  	s9 =	smul.u32 $0xF7A, s1;
	s8 =	simm.s32 @!p0 $0x1BF5;
	p2 =	por !p2, p0  }
0x20: {  	[sflag:s8] =	ssyncset.s32 @!p0 $0xFFFFF086;
	s6 =	sadd.s32 @!p0 s3, s7;
	s7 =	simm.s32 @!p0 $0x108  }
0x21: {  	s3 =	sadd.s32 s3, s9;
	s6 =	sadd.s32 @!p0 $0x88, s6;
	s7 =	simm.s32 @p2 $0x1082  }
0x22: {  	[simem:s7], [sflag:s8] =	dma.local @!p0 [hbm:s6], $0xF7A  }
0x23: {  	s9 =	sor.u32 $0xD0000000, s2;
	s6 =	simm.s32 $0x108;
	_ =	swait.ge @!p0 [sflag:s8], $0x0  }
0x24: {  	s3 =	sadd.s32 $0x88, s3;
	s6 =	simm.s32 @!p1 $0x1082;
	[sflag:s4] =	ssyncset.s32 $0xFFFFF086  }
0x25: {  	[simem:s6], [sflag:s4] =	dma.local [hbm:s3], $0xF7A  }
0x26: {  	[smem:$0x3F9F] =	sst s1;
	(tag) =	ssettag s2;
	_ =	strace s9  }
0x27: {  	s1 =	sld [smem:$0x3FAF]  }
0x28: {  	s2 =	sld [smem:$0x3FB0]  }
0x29: {  	s4 =	sld [smem:$0x3FB2]  }
0x2a: {  	p0 =	seq.s32 s5, $0x0;
	s5 =	sld [smem:$0x3FB3]  }
0x2b: {  	s6 =	sld [smem:$0x3FB4]  }
0x2c: {  	s7 =	sld [smem:$0x3FB5]  }
0x2d: {  	s3 =	simm.s32 $0x108;
	s8 =	sld [smem:$0x3FB6]  }
0x2e: {  	s3 =	simm.s32 @!p0 $0x1082;
	s9 =	sld [smem:$0x3FB7]  }
0x2f: {  	lr =	sadd.s32 s0, s3;
	s0 =	sld [smem:$0x3FAE]  }
0x30: {  	s3 =	sld [smem:$0x3FB1]  }
0x31: {  	[smem:$0x3FBA] =	sst s10  }
0x32: {  	s10 =	sld [smem:$0x3FB8];
	_ =	sdelay $0x3  }
0x33: {  	p0 =	seq.s32 s10, $0x1;
	s10 =	sld [smem:$0x3FBA];
	_ =	sdelay $0x3  }
0x34: {  	[smem:$0x3FBA] =	sst s10  }
0x35: {  	s10 =	sld [smem:$0x3FB9];
	_ =	sdelay $0x3  }
0x36: {  	p1 =	seq.s32 s10, $0x1;
	s10 =	sld [smem:$0x3FBA];
	_ =	sdelay $0x3  }
0x37: {  	[smem:$0x3FBA] =	sst s10  }
0x38: {  	s10 =	sld [smem:$0x3FBB]  }
0x39: {  	_ = 	snop;
	(pc) =	sbr.ind lr, $3  }
0x3a: {  	_ = 	snop  }
0x3b: {  	_ = 	snop  }
0x3c: {  	p2 =	seq.s32 s10, $0x1;
	s10 =	sld [smem:$0x3FBA]  }
0x3d: {  	_ =	shalt  }
0x3e: {  	_ =	shalt  }
0x3f: {  	_ =	shalt  }
0x40: {  	_ =	shalt  }
0x41: {  	_ =	shalt  }
0x42: {  	_ =	shalt  }
0x43: {  	_ =	shalt  }
0x44: {  	_ =	shalt  }
0x45: {  	_ =	shalt  }
0x46: {  	_ =	shalt  }
0x47: {  	_ =	shalt  }
0x48: {  	_ =	shalt  }
0x49: {  	_ =	shalt  }
0x4a: {  	_ =	shalt  }
0x4b: {  	_ =	shalt  }
0x4c: {  	_ =	shalt  }
0x4d: {  	_ =	shalt  }
0x4e: {  	_ =	shalt  }
0x4f: {  	_ =	shalt  }
0x50: {  	_ =	shalt  }
0x51: {  	_ =	shalt  }
0x52: {  	_ =	shalt  }
0x53: {  	_ =	shalt  }
0x54: {  	_ =	shalt  }
0x55: {  	_ =	shalt  }
0x56: {  	_ =	shalt  }
0x57: {  	_ =	shalt  }
0x58: {  	_ =	shalt  }
0x59: {  	_ =	shalt  }
0x5a: {  	_ =	shalt  }
0x5b: {  	_ =	shalt  }
0x5c: {  	_ =	shalt  }
0x5d: {  	_ =	shalt  }
0x5e: {  	_ =	shalt  }
0x5f: {  	_ =	shalt  }
0x60: {  	_ =	shalt  }
0x61: {  	_ =	shalt  }
0x62: {  	_ =	shalt  }
0x63: {  	_ =	shalt  }
0x64: {  	_ =	shalt  }
0x65: {  	_ =	shalt  }
0x66: {  	_ =	shalt  }
0x67: {  	_ =	shalt  }
0x68: {  	_ =	shalt  }
0x69: {  	_ =	shalt  }
0x6a: {  	_ =	shalt  }
0x6b: {  	_ =	shalt  }
0x6c: {  	_ =	shalt  }
0x6d: {  	_ =	shalt  }
0x6e: {  	_ =	shalt  }
0x6f: {  	_ =	shalt  }
0x70: {  	_ =	shalt  }
0x71: {  	_ =	shalt  }
0x72: {  	_ =	shalt  }
0x73: {  	_ =	shalt  }
0x74: {  	_ =	shalt  }
0x75: {  	_ =	shalt  }
0x76: {  	_ =	shalt  }
0x77: {  	_ =	shalt  }
0x78: {  	_ =	shalt  }
0x79: {  	_ =	shalt  }
0x7a: {  	_ =	shalt  }
0x7b: {  	_ =	shalt  }
0x7c: {  	_ =	shalt  }
0x7d: {  	_ =	shalt  }
0x7e: {  	_ =	shalt  }
0x7f: {  	_ =	shalt  }
0x80: {  	_ =	shalt  }
0x81: {  	_ =	shalt  }
0x82: {  	_ =	shalt  }
0x83: {  	_ =	shalt  }
0x84: {  	_ =	shalt  }
0x85: {  	_ =	shalt  }
0x86: {  	_ =	shalt  }
0x87: {  	_ =	shalt  }
.Lfunc_end0:
.L_simem_size_0:
called_computation_lowered:
.L_overlay_start_0:
0x88: {  	s0 =	sld [smem:$0x3FD9]  }
0x89: {  	s1 =	sld [smem:$0x3FFE];
	_ =	sdelay $0x3  }
0x8a: {  	s0 =	sadd.s32 s1, s0  }
0x8b: {  	[smem:$0x3FC6] =	sst s0  }
0x8c: {  	_ = 	snop  }
0x8d: {  	s0 =	sld [smem:$0x3FC9]  }
0x8e: {  	s16 =	sld [smem:$0x3FD0];
	(tm) =	ssettm $0x1  }
0x8f: {  	s2 =	sld [smem:$0x3FFB];
	_ =	sdelay $0x3  }
0x90: {  	_ =	strace s2  }
0x91: {  	s2 =	sld [smem:$0x3FFC];
	_ =	sdelay $0x3  }
0x92: {  	_ =	strace s2  }
0x93: {  	s2 =	sld [smem:$0x3FFD];
	_ =	sdelay $0x3  }
0x94: {  	_ =	strace s2  }
0x95: {  	_ =	strace $0x8FFFFFFF  }
0x96: {  	s17 =	sld [smem:$0x3FDB];
	_ =	sdelay $0x1  }
0x97: {  	s3 =	simm.s32 $_scs_section_size  }
0x98: {  	s4 =	simm.s32 $_size__tile_overlayer_lowered;
	s5 =	simm.s32 $_tile_overlayer_lowered  }
0x99: {  	s20 =	simm.s32 $0x1BFF;
	s19 =	sshll.u32 s5, $0x1;
	s2 =	sadd.s32 s3, s17  }
0x9a: {  	s6 =	simm.s32 $0x0;
	s18 =	sshll.u32 s4, $0x1;
	s4 =	sadd.s32 s19, s2  }
0x9b: {  	[timem:s6], [sflag:s20] =	dma.local [hbm:s4], s18  }
0x9c: {  	_ =	swait.ge [sflag:s20], s18  }
0x9d: {  	s3 =	ssub.s32 $0x0, s18;
	[sflag:s20] =	ssyncset.done $0x0  }
0x9e: {  	[sflag:s20] =	ssyncadd.s32 s3;
	_ =	sdelay $0x1  }
0x9f: {  	s21 =	simm.s32 $0x1B8B  }
0xa0: {  	_ =	swait.ge [sflag:s21], $0x1  }
0xa1: {  	[sflag:s21] =	ssyncset.done $0x0  }
0xa2: {  	s23 =	simm.s32 $0x1B8E;
	s22 =	sld [smem:$0x3FFE];
	[sflag:s21] =	ssyncadd.s32 $0xFFFFFFFF  }
0xa3: {  	s24 =	simm.s32 $execute0_lowered;
	[smem:$0x3FD2] =	sst s23  }
0xa4: {  	s4 =	sshll.u32 s24, $0x1;
	_ =	strace $0x80000046;
	[dreg:$0x1] =	wrdreg $0xFFFFFFFF  }
0xa5: {  	s25 =	simm.s32 $_size_execute0_lowered;
	s2 =	sadd.s32 s2, s4;
	[dreg:$0x0] =	wrdreg $0x0  }
0xa6: {  	s4 =	sshll.u32 s25, $0x1;
	[dreg:$0x2] =	wrdreg s2  }
0xa7: {  	[dreg:$0x3] =	wrdreg s4  }
0xa8: {  	[dreg:$0x4] =	wrdreg $0xC0  }
0xa9: {  	_ =	task [dreg:s6], $0x5FFFF  }
0xaa: {  	[dreg:$0x1] =	wrdreg $0xFFFFFFFF  }
0xab: {  	[dreg:$0x0] =	wrdreg $0x60  }
0xac: {  	[dreg:$0x2] =	wrdreg s0  }
0xad: {  	[dreg:$0x3] =	wrdreg s22  }
0xae: {  	[dreg:$0x4] =	wrdreg s16  }
0xaf: {  	[dreg:$0x5] =	wrdreg $0x2A800  }
0xb0: {  	[dreg:$0x6] =	wrdreg $0x9  }
0xb1: {  	_ =	task.clear_ibuf [dreg:s6], $0x7FFFF;
	_ =	strace $0x90000046  }
0xb2: {  	s26 =	simm.s32 $0x9;
	_ =	strace $0x80000048  }
0xb3: {  	_ =	swait.ge [sflag:s26], $0x1  }
0xb4: {  	[sflag:s26] =	ssyncadd.s32 $0xFFFFFFFF  }
0xb5: {  	_ =	strace $0x90000048  }
0xb6: {  	_ =	sfence  }
0xb7: {  	s28 =	sld [smem:$0x0];
	_ =	sdelay $0x1  }
0xb8: {  	s29 =	srdreg.scid  }
0xb9: {  	s30 =	sshll.u32 s29, $0xD;
	s31 =	sshrl.u32 s29, $0x2  }
0xba: {  	s1 =	sand.u32 $0x1, s29;
	s2 =	sand.u32 $0x4000, s30;
	s0 =	sadd.s32 s31, s28  }
0xbb: {  	s1 =	sor.u32 s2, s1;
	s0 =	sshll.u32 s0, $0x11  }
0xbc: {  	s0 =	sor.u32 s0, s1  }
0xbd: {  	s0 =	sadd.s32 $0x8F2B, s0  }
0xbe: {  	[sflag:s0] =	ssyncadd.remote.s32 $0x1  }
0xbf: {  	_ =	sfence.sel $0xFFFF  }
0xc0: {  	[dreg:$0x0] =	wrdreg $0xFFFFFFFF;
	(pc) =	sbr.abs _section_cstart, $3  }
0xc1: {  	[dreg:$0x1] =	wrdreg $0xFFFFFFFF  }
0xc2: {  	_ =	task.clear_ibuf [dreg:s6], $0x2FFFF;
	_ =	strace $0x9FFFFFFF  }
0xc3: {  	(tm) =	ssettm $0x7FFFFFFF  }
tec
execute0_lowered:
.L_overlay_start_1:
0x0: {  	(tag) =	ssettag $0x1  }
0x1: {  	s1 =	stileid.u32  }
0x2: {  	p0 =	slt.u32 s1, $0x6  }
.Ltmp0:
0x3: {  	s5 =	rddreg [dreg:$0x0];
	(pc) =	sbr.rel @!p0 .LBB2_1-.Ltmp0, $4  }
0x4: {  	s3 =	rddreg [dreg:$0x1]  }
0x5: {  	s2 =	rddreg [dreg:$0x2]  }
0x6: {  	s4 =	rddreg [dreg:$0x3]  }
0x7: {  	s0 =	rddreg [dreg:$0x4];
	_ =	strace $0x80000047  }
0x8: {  	v1 =	vlaneseq.u32  }
0x9: {  	s3 =	sadd.s32 $0x400, s3;
	s7 =	simm.s32 $0x0;
	v0 =	vmul.u32 $0x80, v1  }
0xa: {  	[tilespmem:s7], [sflag:$0x2] =	stream.linear.gather [hbm4b:s3+s7], $0x800, $0x38;
	[tilespmem:$0x2A90] =	vst v63  }
0xb: {  	s3 =	simm.s32 $0x2  }
0xc: {  	_ =	swait.ge [sflag:s3], $0x800;
	v2 =	vor.u32 $0x1, v0  }
0xd: {  	[sflag:s3] =	ssyncset.done $0x0  }
0xe: {  	[sflag:s3] =	ssyncadd.s32 $0xFFFFF800  }
0xf: {  	v3 =	vld.idx.msk [tilespmem:v0+s7+$0x0], $0xffff;
	_ =	sdelay $0x1  }
0x10: {  	v5 =	vld.idx.msk [tilespmem:v2+s7+$0x0], $0xffff;
	_ =	sdelay $0x2  }
0x11: {  	s6 =	sadd.s32 $0xFFFFFFFD, s1;
	vm1 =	vcmask $0x300;
	v2 =	vcvt.s32.f32 v3  }
0x12: {  	vm12 =	vcmask $0x704;
	vm13 =	vcmask $0xB08;
	v0 =	vadd.s32 s6, v3  }
0x13: {  	vm14 =	vcmask $0xF0C;
	vm0 =	vgt.s32 v0, $0x0;
	v6 =	vcvt.s32.f32 v5;
	(xrf2) =	vadd.scan.msk.f32 $0xffff, v2  }
0x14: {  	vm15 =	vcmask $0x1310;
	v4 =	vmul.u32 $0x200, v1;
	v3 =	vnsel vm0, $0x0, v0  }
0x15: {  	v2 =	vmul.f32 v2, v2;
	v3 =	vmin.u32 v3, $0x1FF;
	v8 =	vmul.f32 v6, v6  }
0x16: {  	vm4 =	vcmask $0x1714;
	vm5 =	vcmask $0x1B18;
	v4 =	vor.u32 v4, v3  }
0x17: {  	vm6 =	vcmask $0x1F1C;
	v7 =	vshll.u32 v4, $0x2;
	v2 =	vadd.f32 v8, v2  }
0x18: {  	v9 =	vshrl.u32 v1, $0x3;
	(xrf2) =	vadd.scan.msk.f32 $0xffff, v6;
	v3 =	vand.u32 $0x7, v3;
	v7 =	vand.u32 $0x7FE0, v7  }
0x19: {  	v3 =	vor.u32 v3, v7;
	v7 =	vand.u32 $0x7, v1;
	(xrf2) =	vadd.scan.msk.f32 $0xffff, v2;
	v2 =	vimm.s32 $0x1380  }
0x1a: {  	v8 =	vmul.u32 $0x8, v9;
	v7 =	vperm.xlane v3, v7;
	v2 =	vsel vm1, $0x0, v2  }
0x1b: {  	vm7 =	vcmask $0x2320;
	vm8 =	vcmask $0x2724;
	v2 =	vsel vm12, $0x80, v2  }
0x1c: {  	v10 =	vadd.s32 v8, v7;
	v7 =	vcvt.s32.f32 v0;
	v2 =	vsel vm13, $0x100, v2  }
0x1d: {  	vm9 =	vcmask $0x2B28;
	vm10 =	vcmask $0x2F2C;
	v2 =	vsel vm14, $0x180, v2;
	v6, _, _ =	vpop (xrf2)  }
0x1e: {  	v9 =	vmul.f32 v7, v7;
	v2 =	vsel vm15, $0x200, v2;
	v6 =	vbroadcast v6, $0xF  }
0x1f: {  	vm11 =	vcmask $0x3330;
	vm0 =	vmmov $0xffff;
	v2 =	vsel vm4, $0x280, v2  }
0x20: {  	v1 =	vor.u32 $0x8, v1;
	v2 =	vsel vm5, $0x300, v2;
	v6 =	vmul.f32 v7, v6  }
0x21: {  	v1 =	vperm.xlane v3, v1;
	vm12 =	vcmask $0x3734;
	v2 =	vsel vm6, $0x380, v2  }
0x22: {  	v7 =	vmul.f32 $1.600000000e+01, v9;
	v9, _, _ =	vpop (xrf2);
	v2 =	vsel vm7, $0x1000, v2;
	v6 =	vadd.f32 v6, v6  }
0x23: {  	v11 =	vadd.s32 v8, v1;
	vm13 =	vcmask $0x3B38;
	v3, _, _ =	vpop (xrf2);
	v2 =	vsel vm8, $0x1080, v2  }
0x24: {  	v3 =	vbroadcast v3, $0xF;
	v1 =	vsel vm9, $0x1100, v2;
	v6 =	vsub.f32 v7, v6  }
0x25: {  	s8 =	simm.s32 $0xFFFFFFFD;
	s26 =	simm.s32 $0xFFFFFFFE;
	s6 =	simm.s32 $0x880;
	[tilespmem:$0x800] =	vst v4;
	v8 =	vbroadcast v9, $0xF;
	v2 =	vimm.f32 $0.0e+00;
	v1 =	vsel vm10, $0x1180, v1  }
0x26: {  	[tilespmem:s6], [sflag:$0x1] =	stream.indirect_vreg.gather [hbm4b:s5+s7], $0x80, v10, vm0, $0xb8;
	v1 =	vsel vm11, $0x1200, v1;
	v7 =	vadd.f32 v3, v6;
	v6 =	vadd.s32 s8, v5;
	[tilespmem:$0x2A90] =	vst v63  }
0x27: {  	s9 =	sadd.s32 $0x100, s5;
	s10 =	simm.s32 $0x1080;
	v1 =	vsel vm12, $0x1280, v1;
	v3 =	vadd.s32 s26, v5;
	vm14 =	vgt.s32 v6, $0x0  }
0x28: {  	[tilespmem:s10], [sflag:$0x1] =	stream.indirect_vreg.gather [hbm4b:s9+s7], $0x80, v10, vm0, $0xb8;
	v9 =	vsel vm13, $0x1300, v1;
	v4 =	vcvt.s32.f32 v6;
	v12 =	vnsel vm14, $0x0, v6;
	[tilespmem:$0x2A90] =	vst v63  }
0x29: {  	s28 =	simm.s32 $0x1880;
	v10 =	vcvt.s32.f32 v3;
	vm15 =	vgt.s32 v3, $0x0;
	v12 =	vmin.u32 v12, $0x1FF  }
0x2a: {  	[tilespmem:s28], [sflag:$0x1] =	stream.indirect_vreg.gather [hbm4b:s5+s7], $0x80, v11, vm0, $0xb8;
	v13 =	vnsel vm15, $0x0, v3;
	v14 =	vmul.f32 v4, v4;
	v16 =	vshll.u32 v12, $0x3;
	[tilespmem:$0x2A90] =	vst v63  }
0x2b: {  	s29 =	simm.s32 $0x2080;
	p0 =	por $0x1, $0x1;
	v13 =	vmin.u32 v13, $0x1FF;
	v12 =	vand.u32 $0x7F, v12;
	v16 =	vand.u32 $0xC00, v16  }
0x2c: {  	[tilespmem:s29], [sflag:$0x1] =	stream.indirect_vreg.gather [hbm4b:s9+s7], $0x80, v11, vm0, $0xb8;
	v15 =	vmul.f32 v10, v10;
	v17 =	vshll.u32 v13, $0x3;
	v11 =	vor.u32 v16, v12;
	[tilespmem:$0x2A90] =	vst v63  }
.Ltmp1:
0x2d: {  	v12 =	vand.u32 $0x7F, v13;
	v16 =	vand.u32 $0xC00, v17;
	v13 =	vor.u32 v9, v11;
	(pc) =	sbr.rel @!p0 .LBB2_4-.Ltmp1, $4  }
0x2e: {  	s30 =	simm.s32 $0x1;
	v4 =	vmul.f32 v4, v8;
	v11 =	vmul.f32 $1.600000000e+01, v14;
	v12 =	vor.u32 v16, v12  }
0x2f: {  	_ =	swait.ge [sflag:s30], $0x2000;
	v14 =	vmul.f32 $1.600000000e+01, v15;
	v15 =	vmul.f32 v10, v8;
	v12 =	vor.u32 v9, v12  }
0x30: {  	s31 =	sshll.u32 s1, $0x5;
	v1 =	vimm.s32 $0x0;
	[sflag:s30] =	ssyncset.done $0x0;
	v10 =	vadd.f32 v11, v7;
	v11 =	vadd.f32 v4, v4  }
0x31: {  	s5 =	sadd.s32 s31, s4;
	s7 =	simm.s32 $0xFFFFFFFF;
	[sflag:s30] =	ssyncadd.s32 $0xFFFFE000;
	v14 =	vadd.f32 v14, v7;
	v15 =	vadd.f32 v15, v15;
	v4 =	vimm.f32 $0.0e+00  }
.LBB2_3:
0x32: {  	s8 =	sadd.s32 $0x1, s7;
	v16 =	vor.u32 v0, v6;
	v6 =	vadd.s32 s7, v5;
	v19 =	vld.idx.msk [tilespmem:v13+s6+$0x0], $0xffff;
	v11 =	vsub.f32 v10, v11  }
0x33: {  	v10 =	vcvt.s32.f32 v6;
	v13 =	vadd.s32 s8, v5;
	v15 =	vsub.f32 v14, v15  }
0x34: {  	v18 =	vor.u32 v0, v3;
	vm0 =	vgt.s32 v6, $0x0;
	v17 =	vmul.f32 $-2.000000030e-01, v11;
	v14 =	vld.idx.msk [tilespmem:v12+s6+$0x0], $0xffff;
	v3 =	vmovc v13  }
0x35: {  	vm1 =	vlt.u32 v16, $0x200;
	v11 =	vcvt.s32.f32 v3;
	v12 =	vmul.f32 $-2.000000030e-01, v15  }
0x36: {  	v16 =	vnsel vm0, $0x0, v6;
	vm2 =	vgt.s32 v3, $0x0;
	v15 =	vmul.f32 $1.442695020e+00, v17  }
0x37: {  	v13 =	vsel vm1, $0x3F800000, v1;
	vm0 =	vlt.u32 v18, $0x200;
	v17 =	vmul.f32 $1.442695020e+00, v12  }
0x38: {  	v12 =	vmul.f32 v10, v10;
	v20 =	vsub.f32 $1.000000000e+00, v19;
	(erf) = vpow2.f32 v15  }
0x39: {  	v18 =	vand.u32 $0x7FFFFF, v19;
	v15 =	vnsel vm2, $0x0, v3;
	(erf) = vpow2.f32 v17  }
0x3a: {  	v17 =	vor.u32 $0x3F800000, v18;
	v18 =	vand.u32 $0x7FFFFF, v20;
	v21 =	vsub.f32 $1.000000000e+00, v14  }
0x3b: {  	v22 =	vand.u32 $0x7FFFFF, v14;
	vm2 =	vgt.f32 v17, $1.414213540e+00;
	v18 =	vor.u32 $0x3F800000, v18  }
0x3c: {  	v22 =	vor.u32 $0x3F800000, v22;
	v23 =	vmul.f32 $5.000000000e-01, v18;
	v24 =	vand.u32 $0x7FFFFF, v21  }
0x3d: {  	v25 =	vmul.f32 $5.000000000e-01, v17;
	vm4 =	vgt.f32 v18, $1.414213540e+00;
	v24 =	vor.u32 $0x3F800000, v24  }
0x3e: {  	v23 =	vsel vm4, v23, v18;
	v18 =	vmul.f32 $5.000000000e-01, v22;
	v26 =	vmul.f32 $5.000000000e-01, v24  }
0x3f: {  	v25 =	vsel vm2, v25, v17;
	vm5 =	vgt.f32 v24, $1.414213540e+00;
	v17 =	vadd.f32 $1.000000000e+00, v23  }
0x40: {  	vm6 =	vgt.f32 v22, $1.414213540e+00;
	v27 =	vadd.f32 $1.000000000e+00, v25;
	v24 =	vsel vm5, v26, v24  }
0x41: {  	v22 =	vsel vm6, v18, v22;
	v26 =	vadd.f32 $1.000000000e+00, v24;
	v28 =	vpop (erf);
	(erf) = vrcp.f32 v17  }
0x42: {  	v29 =	vadd.f32 $1.000000000e+00, v22;
	v17 =	vmin.u32 v16, $0x1FF;
	(erf) = vrcp.f32 v27;
	v18 =	vpop (erf)  }
0x43: {  	vm1 =	veq.f32 v19, $0.0e+00;
	v16 =	vsel vm0, $0x3F800000, v1;
	(erf) = vrcp.f32 v26  }
0x44: {  	vm0 =	veq.f32 v14, $0.0e+00;
	v26 =	vshra.s32 v19, $0x17;
	(erf) = vrcp.f32 v29  }
0x45: {  	vm3 =	veq.f32 v20, $0.0e+00;
	v27 =	vshra.s32 v20, $0x17;
	v20 =	vshra.s32 v14, $0x17  }
0x46: {  	v30 =	vsel vm6, $0x1, v1;
	v29 =	vsel vm2, $0x1, v1;
	vm2 =	veq.f32 v21, $0.0e+00  }
0x47: {  	v20 =	vadd.s32 v30, v20;
	v21 =	vshra.s32 v21, $0x17;
	v26 =	vadd.s32 v29, v26  }
0x48: {  	v25 =	vadd.f32 $-1.000000000e+00, v25;
	v29 =	vsel vm4, $0x1, v1;
	v26 =	vadd.s32 $0xFFFFFF81, v26  }
0x49: {  	v23 =	vadd.f32 $-1.000000000e+00, v23;
	v20 =	vadd.s32 $0xFFFFFF81, v20;
	v26 =	vcvt.s32.f32 v26  }
0x4a: {  	v22 =	vadd.f32 $-1.000000000e+00, v22;
	v27 =	vadd.s32 v29, v27;
	v29 =	vsel vm5, $0x1, v1;
	v30 =	vpop (erf)  }
0x4b: {  	v24 =	vadd.f32 $-1.000000000e+00, v24;
	vm4 =	veq.f32 v28, $1.000000000e+00;
	v23 =	vmul.f32 v30, v23;
	v30 =	vpop (erf)  }
0x4c: {  	v19 =	vsub.f32 v19, v28;
	v20 =	vcvt.s32.f32 v20;
	v25 =	vmul.f32 v30, v25;
	v30 =	vpop (erf)  }
0x4d: {  	v28 =	vsub.f32 $1.000000000e+00, v28;
	v31 =	vmul.f32 v23, v23;
	v24 =	vmul.f32 v30, v24;
	v30 =	vpop (erf)  }
0x4e: {  	v21 =	vadd.s32 v29, v21;
	v32 =	vmul.f32 v25, v25;
	v22 =	vmul.f32 v30, v22  }
0x4f: {  	v27 =	vadd.s32 $0xFFFFFF81, v27;
	v29 =	vmul.f32 $1.111111120e-01, v31;
	v30 =	vmul.f32 v24, v24  }
0x50: {  	v34 =	vsub.f32 $1.000000000e+00, v18;
	v33 =	vmul.f32 $1.111111120e-01, v32;
	v35 =	vmul.f32 v22, v22  }
0x51: {  	v26 =	vmul.f32 $6.931471820e-01, v26;
	v29 =	vadd.f32 $1.428571490e-01, v29;
	v36 =	vmul.f32 $1.111111120e-01, v30  }
0x52: {  	v21 =	vadd.s32 $0xFFFFFF81, v21;
	v33 =	vadd.f32 $1.428571490e-01, v33;
	v37 =	vmul.f32 $1.111111120e-01, v35  }
0x53: {  	v27 =	vcvt.s32.f32 v27;
	v29 =	vmul.f32 v29, v31;
	v36 =	vadd.f32 $1.428571490e-01, v36  }
0x54: {  	v21 =	vcvt.s32.f32 v21;
	v33 =	vmul.f32 v33, v32;
	v37 =	vadd.f32 $1.428571490e-01, v37  }
0x55: {  	v25 =	vadd.f32 v25, v25;
	v29 =	vadd.f32 $2.000000030e-01, v29;
	v36 =	vmul.f32 v36, v30  }
0x56: {  	v22 =	vadd.f32 v22, v22;
	v33 =	vadd.f32 $2.000000030e-01, v33;
	v37 =	vmul.f32 v37, v35  }
0x57: {  	v23 =	vadd.f32 v23, v23;
	v29 =	vmul.f32 v29, v31;
	v36 =	vadd.f32 $2.000000030e-01, v36  }
0x58: {  	v24 =	vadd.f32 v24, v24;
	v33 =	vmul.f32 v33, v32;
	v37 =	vadd.f32 $2.000000030e-01, v37  }
0x59: {  	v31 =	vmul.f32 v31, v23;
	v29 =	vadd.f32 $3.333333430e-01, v29;
	v36 =	vmul.f32 v36, v30  }
0x5a: {  	v32 =	vmul.f32 v32, v25;
	v33 =	vadd.f32 $3.333333430e-01, v33;
	v37 =	vmul.f32 v37, v35  }
0x5b: {  	v30 =	vmul.f32 v30, v24;
	v29 =	vmul.f32 v29, v31;
	v31 =	vadd.f32 $3.333333430e-01, v36  }
0x5c: {  	v35 =	vmul.f32 v35, v22;
	v32 =	vmul.f32 v33, v32;
	v33 =	vadd.f32 $3.333333430e-01, v37  }
0x5d: {  	v27 =	vmul.f32 $6.931471820e-01, v27;
	v23 =	vadd.f32 v29, v23;
	v29 =	vmul.f32 v31, v30  }
0x5e: {  	v20 =	vmul.f32 $6.931471820e-01, v20;
	v25 =	vadd.f32 v32, v25;
	v30 =	vmul.f32 v33, v35  }
0x5f: {  	v21 =	vmul.f32 $6.931471820e-01, v21;
	v23 =	vadd.f32 v23, v27;
	v24 =	vadd.f32 v29, v24  }
0x60: {  	v27 =	vmul.f32 v28, v28;
	v25 =	vadd.f32 v25, v26;
	v22 =	vadd.f32 v30, v22  }
0x61: {  	v19 =	vmul.f32 v19, v19;
	v23 =	vsub.f32 $0.0e+00, v23;
	v21 =	vadd.f32 v24, v21  }
0x62: {  	v26 =	vmul.f32 v34, v34;
	v24 =	vmul.f32 v27, v27;
	v20 =	vadd.f32 v22, v20  }
0x63: {  	v22 =	vsub.f32 $0.0e+00, v25;
	v23 =	vsel vm3, $0x7F800000, v23;
	v21 =	vsub.f32 $0.0e+00, v21  }
0x64: {  	v14 =	vsub.f32 v14, v18;
	v23 =	vmul.f32 v23, v24;
	v24 =	vmul.f32 v26, v26  }
0x65: {  	v22 =	vsel vm1, $0x7F800000, v22;
	v20 =	vsub.f32 $0.0e+00, v20;
	v21 =	vsel vm2, $0x7F800000, v21  }
0x66: {  	s8 =	sadd.s32 $0x3, s7;
	vm1 =	veq.f32 v18, $1.000000000e+00;
	v22 =	vsel vm4, v22, v23;
	v21 =	vmul.f32 v21, v24  }
0x67: {  	p0 =	slt.u32 s8, $0x4;
	v14 =	vmul.f32 v14, v14;
	v18 =	vmul.f32 v22, v19;
	v19 =	vsel vm0, $0x7F800000, v20  }
0x68: {  	v15 =	vmin.u32 v15, $0x1FF;
	v20 =	vmul.f32 v11, v11;
	v19 =	vsel vm1, v19, v21  }
0x69: {  	v21 =	vshll.u32 v17, $0x3;
	v18 =	vmul.f32 v13, v18;
	v14 =	vmul.f32 v19, v14  }
0x6a: {  	v17 =	vand.u32 $0x7F, v17;
	v19 =	vand.u32 $0xC00, v21;
	v21 =	vshll.u32 v15, $0x3  }
0x6b: {  	v4 =	vadd.f32 v13, v4;
	v2 =	vadd.f32 v18, v2;
	v14 =	vmul.f32 v16, v14  }
0x6c: {  	v15 =	vand.u32 $0x7F, v15;
	v13 =	vor.u32 v19, v17;
	v17 =	vand.u32 $0xC00, v21  }
.Ltmp2:
0x6d: {  	v4 =	vadd.f32 v16, v4;
	v13 =	vor.u32 v9, v13;
	v2 =	vadd.f32 v14, v2;
	(pc) =	sbr.rel @p0 .LBB2_3-.Ltmp2, $4  }
0x6e: {  	v16 =	vmul.f32 v10, v8;
	v10 =	vor.u32 v17, v15;
	v14 =	vmul.f32 $1.600000000e+01, v12  }
0x6f: {  	v15 =	vmul.f32 $1.600000000e+01, v20;
	v17 =	vmul.f32 v11, v8;
	v12 =	vor.u32 v9, v10  }
0x70: {  	v11 =	vadd.f32 v16, v16;
	v10 =	vadd.f32 v14, v7  }
0x71: {  	s7 =	sadd.s32 $0x2, s7;
	v14 =	vadd.f32 v15, v7;
	v15 =	vadd.f32 v17, v17  }
.LBB2_4:
0x72: {  	_ =	sdelay $0x3  }
0x73: {  	v7 =	vld.idx.msk [tilespmem:v13+s6+$0x0], $0xffff;
	_ =	sdelay $0x4  }
0x74: {  	v8 =	vsub.f32 $1.000000000e+00, v7  }
0x75: {  	v5 =	vsub.f32 v10, v11  }
0x76: {  	v9 =	vsub.f32 v14, v15;
	v61 =	vand.u32 $0x7FFFFF, v8  }
0x77: {  	v63 =	vld.idx.msk [tilespmem:v12+s6+$0x0], $0xffff;
	v11 =	vmul.f32 $-2.000000030e-01, v5;
	v10 =	vor.u32 $0x3F800000, v61  }
0x78: {  	v9 =	vmul.f32 $-2.000000030e-01, v9;
	v62 =	vmul.f32 $5.000000000e-01, v10  }
0x79: {  	v11 =	vmul.f32 $1.442695020e+00, v11;
	vm5 =	vgt.f32 v10, $1.414213540e+00  }
0x7a: {  	v9 =	vmul.f32 $1.442695020e+00, v9;
	v10 =	vsel vm5, v62, v10  }
0x7b: {  	v21 =	vand.u32 $0x7FFFFF, v7;
	(erf) = vpow2.f32 v11;
	v22 =	vadd.f32 $1.000000000e+00, v10  }
0x7c: {  	v24 =	vsub.f32 $1.000000000e+00, v63;
	v23 =	vor.u32 $0x3F800000, v21;
	(erf) = vpow2.f32 v9  }
0x7d: {  	v11 =	vmul.f32 $5.000000000e-01, v23;
	(erf) = vrcp.f32 v22  }
0x7e: {  	vm3 =	vgt.f32 v23, $1.414213540e+00;
	v25 =	vand.u32 $0x7FFFFF, v24  }
0x7f: {  	v27 =	vand.u32 $0x7FFFFF, v63;
	v9 =	vsel vm3, v11, v23;
	v11 =	vor.u32 $0x3F800000, v25  }
0x80: {  	v14 =	vor.u32 $0x3F800000, v27;
	v28 =	vmul.f32 $5.000000000e-01, v11  }
0x81: {  	v29 =	vmul.f32 $5.000000000e-01, v14;
	vm6 =	vgt.f32 v11, $1.414213540e+00  }
0x82: {  	vm7 =	vgt.f32 v14, $1.414213540e+00;
	v26 =	vadd.f32 $1.000000000e+00, v9;
	v11 =	vsel vm6, v28, v11  }
0x83: {  	v13 =	vsel vm7, v29, v14;
	v31 =	vadd.f32 $1.000000000e+00, v11  }
0x84: {  	v6 =	vor.u32 v0, v6;
	v17 =	vadd.f32 $1.000000000e+00, v13;
	(erf) = vrcp.f32 v26;
	v30 =	vpop (erf)  }
0x85: {  	vm0 =	vlt.u32 v6, $0x200;
	v10 =	vadd.f32 $-1.000000000e+00, v10;
	v16 =	vpop (erf);
	(erf) = vrcp.f32 v31  }
0x86: {  	vm2 =	veq.f32 v7, $0.0e+00;
	v32 =	vshra.s32 v7, $0x17;
	(erf) = vrcp.f32 v17;
	v18 =	vpop (erf)  }
0x87: {  	vm1 =	veq.f32 v63, $0.0e+00;
	v36 =	vshra.s32 v63, $0x17;
	v10 =	vmul.f32 v18, v10  }
0x88: {  	v34 =	vshra.s32 v8, $0x17;
	vm4 =	veq.f32 v8, $0.0e+00;
	vm12 =	veq.f32 v24, $0.0e+00  }
0x89: {  	v35 =	vsel vm3, $0x1, v1;
	v21 =	vsel vm7, $0x1, v1;
	v33 =	vmul.f32 v10, v10  }
0x8a: {  	v12 =	vshra.s32 v24, $0x17;
	v6 =	vadd.s32 v35, v32;
	v8 =	vadd.s32 v21, v36  }
0x8b: {  	v9 =	vadd.f32 $-1.000000000e+00, v9;
	v6 =	vadd.s32 $0xFFFFFF81, v6;
	v20 =	vmul.f32 $1.111111120e-01, v33  }
0x8c: {  	v38 =	vsel vm5, $0x1, v1;
	v8 =	vadd.s32 $0xFFFFFF81, v8;
	v6 =	vcvt.s32.f32 v6  }
0x8d: {  	v8 =	vcvt.s32.f32 v8;
	v11 =	vadd.f32 $-1.000000000e+00, v11;
	v19 =	vpop (erf);
	v37 =	vadd.f32 $1.428571490e-01, v20  }
0x8e: {  	v13 =	vadd.f32 $-1.000000000e+00, v13;
	v6 =	vmul.f32 $6.931471820e-01, v6;
	v9 =	vmul.f32 v19, v9;
	v39 =	vpop (erf)  }
0x8f: {  	v43 =	vsel vm6, $0x1, v1;
	v11 =	vmul.f32 v39, v11;
	v40 =	vpop (erf);
	v18 =	vmul.f32 v37, v33  }
0x90: {  	v12 =	vadd.s32 v43, v12;
	v19 =	vmul.f32 v9, v9;
	v13 =	vmul.f32 v40, v13  }
0x91: {  	v8 =	vmul.f32 $6.931471820e-01, v8;
	v42 =	vmul.f32 v11, v11;
	v18 =	vadd.f32 $2.000000030e-01, v18  }
0x92: {  	v12 =	vadd.s32 $0xFFFFFF81, v12;
	v22 =	vmul.f32 $1.111111120e-01, v19;
	v23 =	vmul.f32 v13, v13  }
0x93: {  	v10 =	vadd.f32 v10, v10;
	v24 =	vmul.f32 $1.111111120e-01, v42;
	v18 =	vmul.f32 v18, v33  }
0x94: {  	v12 =	vcvt.s32.f32 v12;
	v41 =	vadd.f32 $1.428571490e-01, v22;
	v44 =	vmul.f32 $1.111111120e-01, v23  }
0x95: {  	v14 =	vmul.f32 v33, v10;
	v45 =	vadd.f32 $1.428571490e-01, v24;
	v18 =	vadd.f32 $3.333333430e-01, v18  }
0x96: {  	vm13 =	veq.f32 v30, $1.000000000e+00;
	v20 =	vmul.f32 v41, v19;
	v22 =	vadd.f32 $1.428571490e-01, v44  }
0x97: {  	v7 =	vsub.f32 v7, v30;
	v14 =	vmul.f32 v18, v14;
	v18 =	vmul.f32 v45, v42  }
0x98: {  	v17 =	vadd.s32 v38, v34;
	v20 =	vadd.f32 $2.000000030e-01, v20;
	v22 =	vmul.f32 v22, v23  }
0x99: {  	v15 =	vsub.f32 $1.000000000e+00, v30;
	v17 =	vadd.s32 $0xFFFFFF81, v17;
	v18 =	vadd.f32 $2.000000030e-01, v18  }
0x9a: {  	v9 =	vadd.f32 v9, v9;
	v20 =	vmul.f32 v20, v19;
	v22 =	vadd.f32 $2.000000030e-01, v22  }
0x9b: {  	v11 =	vadd.f32 v11, v11;
	v13 =	vadd.f32 v13, v13;
	v18 =	vmul.f32 v18, v42  }
0x9c: {  	v19 =	vmul.f32 v19, v9;
	v20 =	vadd.f32 $3.333333430e-01, v20;
	v22 =	vmul.f32 v22, v23  }
0x9d: {  	v17 =	vcvt.s32.f32 v17;
	v21 =	vmul.f32 v42, v11;
	v18 =	vadd.f32 $3.333333430e-01, v18  }
0x9e: {  	v23 =	vmul.f32 v23, v13;
	v19 =	vmul.f32 v20, v19;
	v22 =	vadd.f32 $3.333333430e-01, v22  }
0x9f: {  	v47 =	vmul.f32 $6.931471820e-01, v17;
	v10 =	vadd.f32 v14, v10;
	v48 =	vmul.f32 v18, v21  }
0xa0: {  	v46 =	vsub.f32 $1.000000000e+00, v16;
	v9 =	vadd.f32 v19, v9;
	v49 =	vmul.f32 v22, v23  }
0xa1: {  	v12 =	vmul.f32 $6.931471820e-01, v12;
	v10 =	vadd.f32 v10, v47;
	v11 =	vadd.f32 v48, v11  }
0xa2: {  	v50 =	vmul.f32 v15, v15;
	v6 =	vadd.f32 v9, v6;
	v51 =	vadd.f32 v49, v13  }
0xa3: {  	v7 =	vmul.f32 v7, v7;
	v10 =	vsub.f32 $0.0e+00, v10;
	v11 =	vadd.f32 v11, v12  }
0xa4: {  	v53 =	vmul.f32 v46, v46;
	v52 =	vmul.f32 v50, v50;
	v8 =	vadd.f32 v51, v8  }
0xa5: {  	v6 =	vsub.f32 $0.0e+00, v6;
	v54 =	vsel vm4, $0x7F800000, v10;
	v55 =	vsub.f32 $0.0e+00, v11  }
0xa6: {  	v5 =	vsub.f32 v63, v16;
	v56 =	vmul.f32 v53, v53;
	v9 =	vmul.f32 v54, v52  }
0xa7: {  	v6 =	vsel vm2, $0x7F800000, v6;
	v8 =	vsub.f32 $0.0e+00, v8;
	v10 =	vsel vm12, $0x7F800000, v55  }
0xa8: {  	vm14 =	veq.f32 v16, $1.000000000e+00;
	v6 =	vsel vm13, v6, v9;
	v57 =	vmul.f32 v10, v56  }
0xa9: {  	v5 =	vmul.f32 v5, v5;
	v58 =	vsel vm1, $0x7F800000, v8;
	v6 =	vmul.f32 v6, v7  }
0xaa: {  	v59 =	vor.u32 v0, v3;
	v60 =	vsel vm0, $0x3F800000, v1;
	v7 =	vsel vm14, v58, v57  }
0xab: {  	vm15 =	vlt.u32 v59, $0x200;
	v61 =	vmul.f32 v60, v6;
	v5 =	vmul.f32 v7, v5  }
0xac: {  	v3 =	vadd.f32 v60, v4;
	v62 =	vsel vm15, $0x3F800000, v1  }
0xad: {  	v0 =	vadd.f32 v61, v2;
	v63 =	vmul.f32 v62, v5  }
0xae: {  	v1 =	vadd.f32 v62, v3  }
0xaf: {  	v0 =	vadd.f32 v63, v0  }
0xb0: {  	[tilespmem:$0x2890] =	vst v1  }
0xb1: {  	s31 =	simm.s32 $0x2880;
	[tilespmem:$0x2880] =	vst v0  }
0xb2: {  	[spmem:s5] =	stream.linear.scatter [tilespmem:s31], [sflag:$0x2], $0x20, $0x38;
	[tilespmem:$0x2A90] =	vst v63  }
0xb3: {  	_ =	swait.ge [sflag:s3], $0x20  }
0xb4: {  	[sflag:s3] =	ssyncset.done $0x0  }
0xb5: {  	[sflag:s3] =	ssyncadd.s32 $0xFFFFFFE0  }
0xb6: {  	p0 =	sne.s32 s1, $0x0;
	[bflag:$0x0] =	sbarrier.arrive $0xFFFF  }
0xb7: {  	_ =	sfence.sel @p0 $0x180000  }
0xb8: {  	[bflag:$0x0] =	sbarrier.arrive @p0 $0xFFFF  }
0xb9: {  	_ =	strace @p0 $0x90000047  }
0xba: {  	[bflag:$0x2] =	sbarrier.arrive @p0 $0xFFFF  }
0xbb: {  	_ =	shalt @p0  }
.LBB2_5:
0xbc: {  	s5 =	simm.s32 $0x2900  }
0xbd: {  	[tilespmem:s5], [sflag:$0x2] =	stream.linear.gather [spmem:s4], $0x100, $0x38;
	[tilespmem:$0x2A90] =	vst v63  }
0xbe: {  	_ =	swait.ge [sflag:s3], $0x100  }
0xbf: {  	[sflag:s3] =	ssyncset.done $0x0  }
0xc0: {  	[sflag:s3] =	ssyncadd.s32 $0xFFFFFF00  }
0xc1: {  	v0 =	vld [tilespmem:$0x2900]  }
0xc2: {  	v1 =	vld [tilespmem:$0x2910]  }
0xc3: {  	v2 =	vld [tilespmem:$0x2920]  }
0xc4: {  	v3 =	vld [tilespmem:$0x2930]  }
0xc5: {  	v4 =	vld [tilespmem:$0x2940]  }
0xc6: {  	v5 =	vld [tilespmem:$0x2950]  }
0xc7: {  	v6 =	vld [tilespmem:$0x2960]  }
0xc8: {  	v59 =	vld [tilespmem:$0x2970];
	v0 =	vadd.f32 v2, v0  }
0xc9: {  	v60 =	vld [tilespmem:$0x2980];
	v1 =	vadd.f32 v3, v1  }
0xca: {  	v61 =	vld [tilespmem:$0x2990];
	v0 =	vadd.f32 v4, v0  }
0xcb: {  	v62 =	vld [tilespmem:$0x29A0];
	v1 =	vadd.f32 v5, v1  }
0xcc: {  	v63 =	vld [tilespmem:$0x29B0];
	v0 =	vadd.f32 v6, v0  }
0xcd: {  	v1 =	vadd.f32 v59, v1  }
0xce: {  	v0 =	vadd.f32 v60, v0  }
0xcf: {  	v1 =	vadd.f32 v61, v1  }
0xd0: {  	v0 =	vadd.f32 v62, v0  }
0xd1: {  	v1 =	vadd.f32 v63, v1  }
0xd2: {  	(xrf2) =	vadd.scan.msk.f32 $0xffff, v0  }
0xd3: {  	(xrf2) =	vadd.scan.msk.f32 $0xffff, v1;
	_ =	sdelay $0x8  }
0xd4: {  	v0, _, _ =	vpop (xrf2)  }
0xd5: {  	v1, _, _ =	vpop (xrf2)  }
0xd6: {  	v1 =	vadd.f32 $0.0e+00, v1;
	_ =	sdelay $0x1  }
0xd7: {  	v1 =	vbroadcast v1, $0xF;
	_ =	sdelay $0x1  }
0xd8: {  	(erf) = vrcp.f32 v1;
	_ =	sdelay $0x5  }
0xd9: {  	v0 =	vadd.f32 $0.0e+00, v0;
	_ =	sdelay $0x1  }
0xda: {  	v0 =	vbroadcast v0, $0xF  }
0xdb: {  	v1 =	vpop (erf)  }
0xdc: {  	v0 =	vmul.f32 v1, v0;
	_ =	sdelay $0x1  }
.Ltmp3:
0xdd: {  	s30 =	simm.s32 $0x0;
	s31 =	simm.s32 $0x2A00;
	[tilespmem:$0x2A00] =	vst v0;
	(pc) =	sbr.rel .LBB2_6-.Ltmp3, $4  }
0xde: {  	[hbm4b:s2+s30] =	stream.linear.scatter [tilespmem:s31], [sflag:$0x2], $0x1, $0x38;
	[tilespmem:$0x2A90] =	vst v63  }
0xdf: {  	_ =	swait.ge [sflag:s3], $0x1  }
0xe0: {  	[sflag:s3] =	ssyncset.done $0x0  }
0xe1: {  	[sflag:s3] =	ssyncadd.s32 $0xFFFFFFFF  }
.LBB2_1:
0xe2: {  	[bflag:$0x0] =	sbarrier.arrive $0xFFFF  }
.LBB2_6:
0xe3: {  	_ =	sfence.sel $0x180000  }
0xe4: {  	[bflag:$0x0] =	sbarrier.arrive $0xFFFF  }
0xe5: {  	p0 =	sne.s32 s1, $0x0;
	_ =	strace $0x90000047  }
0xe6: {  	s0 =	sadd.s32 @!p0 $0x100000, s0;
	[bflag:$0x2] =	sbarrier.arrive $0xFFFF  }
0xe7: {  	[sflag:s0] =	ssyncadd.tile.s32 @!p0 $0x1;
	_ =	shalt  }
.Lfunc_end2:
_tile_overlayer_lowered:
.L_overlay_start_2:
0xe8: {  	(tag) =	ssettag $0x2  }
0xe9: {  	s0 =	rddreg [dreg:$0x0];
	s2 =	stileid.u32  }
0xea: {  	s1 =	rddreg [dreg:$0x1];
	p0 =	sne.s32 s2, $0x0  }
0xeb: {  	s3 =	rddreg [dreg:$0x2];
	[bflag:$0x3] =	sbarrier.arrive $0xFFFF;
	s2 =	simm.s32 @!p0 $0x1C02  }
0xec: {  	[timem:s3], [sflag:s2] =	dma.local @!p0 [hbm:s0], s1  }
0xed: {  	s0 =	simm.s32 @!p0 $0x2  }
0xee: {  	_ =	swait.ge @!p0 [sflag:s0], s1  }
0xef: {  	s1 =	ssub.s32 @!p0 $0x0, s1;
	[sflag:s0] =	ssyncset.done @!p0 $0x0  }
0xf0: {  	[sflag:s0] =	ssyncadd.s32 @!p0 s1  }
0xf1: {  	[bflag:$0x3] =	sbarrier.arrive $0xFFFF  }
0xf2: {  	_ =	shalt  }

</sc_bundles>
